<compile_context>
chip_gen: v7x
topology: tpu7x:2x2x1
jax: 0.10.2.dev20260603
libtpu: 0.0.44.dev20260713+nightly
codegen_flags: <defaults>
</compile_context>

<pallas_src>
import functools

import jax
import jax.numpy as jnp
from jax import lax
from jax.experimental import pallas as pl
from jax.experimental.pallas import tpu as pltpu
from jax.experimental.pallas import tpu_sc as plsc

N = 10000
DD = 128
E = 320000
SCALE = 1.8
NC, NS, L = 2, 16, 16
NW = NC * NS
NPAD = 10240
EPAD = 327680
CH = 128
CHC = 80
NBUF = 4
RPT = NPAD // NS
A_CHUNKS = EPAD // NW // CH
C_CHUNKS = EPAD // NS // CHC
GG = 16
BM = 2560


def _deg_body(col_hbm, p_out, colv, ones_v, zb, hist):
    c = lax.axis_index("c")
    s = lax.axis_index("s")
    wid = c * NS + s
    for t in range(CH // L):
        ones_v[pl.ds(t * L, L)] = jnp.ones((L,), jnp.float32)
        zb[pl.ds(t * L, L)] = jnp.zeros((L,), jnp.float32)
    base = s * RPT
    for t in range(RPT // CH):
        pltpu.sync_copy(zb, hist.at[pl.ds(base + t * CH, CH)])
    pltpu.sync_copy(col_hbm.at[wid], colv)
    plsc.subcore_barrier()

    def body(j, carry):
        pltpu.sync_copy(ones_v, hist.at[colv.at[j]], add=True)
        return carry

    lax.fori_loop(0, A_CHUNKS, body, 0)
    plsc.subcore_barrier()
    pltpu.sync_copy(hist.at[pl.ds(base, RPT)], p_out.at[c, pl.ds(base, RPT)])


@functools.cache
def _deg():
    return pl.kernel(
        _deg_body,
        out_type=jax.ShapeDtypeStruct((NC, NPAD), jnp.float32),
        mesh=plsc.VectorSubcoreMesh(core_axis_name="c", subcore_axis_name="s",
                                    num_cores=NC, num_subcores=NS),
        scratch_types=[
            pltpu.VMEM((A_CHUNKS, CH), jnp.int32),
            pltpu.VMEM((CH,), jnp.float32),
            pltpu.VMEM((CH,), jnp.float32),
            pltpu.VMEM_SHARED((NPAD,), jnp.float32),
        ],
    )


def _prop_body(tbl_hbm, row_hbm, col_hbm, s_out,
               rowva, colva, rowvb, colvb, *rest):
    bufs = rest[:NBUF]
    gsems = rest[NBUF:2 * NBUF]
    ssems = rest[2 * NBUF:3 * NBUF]
    isem = rest[3 * NBUF]
    acc = rest[3 * NBUF + 1]
    c = lax.axis_index("c")
    s = lax.axis_index("s")
    wid = c * NS + s
    base = s * RPT

    @pl.when(s < NS - 1)
    def _seed_full():
        pltpu.sync_copy(tbl_hbm.at[pl.ds(c * N + base, RPT)],
                        acc.at[pl.ds(base, RPT)])

    @pl.when(s == NS - 1)
    def _seed_tail():
        pltpu.sync_copy(tbl_hbm.at[pl.ds(c * N + base, RPT - (NPAD - N))],
                        acc.at[pl.ds(base, RPT - (NPAD - N))])

    plsc.subcore_barrier()

    CB = CHC * DD * 4

    def run_group(rowv, colv):
        for k in range(NBUF):
            pltpu.async_copy(tbl_hbm.at[rowv.at[k]], bufs[k], gsems[k])

        def quad(j, carry2):
            a = NBUF * j
            for k in range(NBUF):
                pltpu.make_async_copy(
                    tbl_hbm.at[rowv.at[0]], bufs[k], gsems[k]).wait()
                pltpu.async_copy(bufs[k], acc.at[colv.at[a + k]], ssems[k],
                                 add=True)

            @pl.when(j < GG // NBUF - 1)
            def _prefetch():
                for k in range(NBUF):
                    pltpu.make_async_copy(
                        bufs[k], acc.at[colv.at[0]], ssems[k]).wait()
                    pltpu.async_copy(tbl_hbm.at[rowv.at[a + NBUF + k]],
                                     bufs[k], gsems[k])

            @pl.when(j >= GG // NBUF - 1)
            def _drain():
                for k in range(NBUF):
                    pltpu.make_async_copy(
                        bufs[k], acc.at[colv.at[0]], ssems[k]).wait()

            return carry2

        lax.fori_loop(0, GG // NBUF, quad, 0)

    NGP = C_CHUNKS // GG // 2
    pltpu.sync_copy(row_hbm.at[wid, pl.ds(0, GG)], rowva)
    pltpu.sync_copy(col_hbm.at[s, pl.ds(0, GG)], colva)

    def gpair(h, carry):
        g = 2 * h
        pltpu.async_copy(row_hbm.at[wid, pl.ds((g + 1) * GG, GG)],
                         rowvb, isem)
        pltpu.async_copy(col_hbm.at[s, pl.ds((g + 1) * GG, GG)],
                         colvb, isem)
        run_group(rowva, colva)
        pltpu.make_async_copy(row_hbm.at[wid, pl.ds(0, GG)],
                              rowvb, isem).wait()
        pltpu.make_async_copy(col_hbm.at[s, pl.ds(0, GG)],
                              colvb, isem).wait()

        @pl.when(h < NGP - 1)
        def _pref_a():
            pltpu.async_copy(row_hbm.at[wid, pl.ds((g + 2) * GG, GG)],
                             rowva, isem)
            pltpu.async_copy(col_hbm.at[s, pl.ds((g + 2) * GG, GG)],
                             colva, isem)

        run_group(rowvb, colvb)

        @pl.when(h < NGP - 1)
        def _wait_a():
            pltpu.make_async_copy(row_hbm.at[wid, pl.ds(0, GG)],
                                  rowva, isem).wait()
            pltpu.make_async_copy(col_hbm.at[s, pl.ds(0, GG)],
                                  colva, isem).wait()

        return carry

    lax.fori_loop(0, NGP, gpair, 0)
    plsc.subcore_barrier()
    pltpu.sync_copy(acc.at[pl.ds(base, RPT)], s_out.at[c, pl.ds(base, RPT)])


@functools.cache
def _prop():
    return pl.kernel(
        _prop_body,
        out_type=jax.ShapeDtypeStruct((NC, NPAD, DD), jnp.float32),
        mesh=plsc.VectorSubcoreMesh(core_axis_name="c", subcore_axis_name="s",
                                    num_cores=NC, num_subcores=NS),
        scratch_types=(
            [pltpu.VMEM((GG, CHC), jnp.int32)] * 4
            + [pltpu.VMEM((CHC, DD), jnp.float32)] * NBUF
            + [pltpu.SemaphoreType.DMA] * (2 * NBUF + 1)
            + [pltpu.VMEM_SHARED((NPAD, DD), jnp.float32)]
        ),
    )


def _prep_body(x_ref, w1_ref, b1_ref, w2_ref, b2_ref, p_ref, y_ref):
    xb = x_ref[...]
    z1 = lax.dot_general(xb, w1_ref[...], (((1,), (1,)), ((), ())),
                         preferred_element_type=jnp.float32) + b1_ref[...]
    z2 = lax.dot_general(xb, w2_ref[...], (((1,), (1,)), ((), ())),
                         preferred_element_type=jnp.float32) + b2_ref[...]
    nrm = jnp.sqrt(jnp.sum(z2 * z2, axis=1, keepdims=True))
    z2 = z2 / jnp.maximum(nrm, 1e-12) * SCALE
    p = p_ref[...]
    disc = (1.0 / jnp.sqrt(p[0] + p[1] + 1.0))[:, None]
    y_ref[0] = z1 * disc
    y_ref[1] = z2 * disc


def _run_prep(x, w1, b1, w2, b2, p):
    grid = (N + BM - 1) // BM
    return pl.pallas_call(
        _prep_body,
        grid=(grid,),
        in_specs=[
            pl.BlockSpec((BM, DD), lambda i: (i, 0)),
            pl.BlockSpec((DD, DD), lambda i: (0, 0)),
            pl.BlockSpec((1, DD), lambda i: (0, 0)),
            pl.BlockSpec((DD, DD), lambda i: (0, 0)),
            pl.BlockSpec((1, DD), lambda i: (0, 0)),
            pl.BlockSpec((NC, BM), lambda i: (0, i)),
        ],
        out_specs=pl.BlockSpec((NC, BM, DD), lambda i: (0, i, 0)),
        out_shape=jax.ShapeDtypeStruct((NC, N, DD), jnp.float32),
    )(x, w1, b1, w2, b2, p)


def _final_body(s_ref, p_ref, o2_ref, o1_ref):
    p = p_ref[...]
    dis = 1.0 / jnp.sqrt(p[0] + p[1] + 1.0)
    disc = dis[:, None]
    o1_ref[...] = disc * s_ref[0]
    o2_ref[...] = disc * s_ref[1]


def _run_final(s, p):
    grid = (N + BM - 1) // BM
    return pl.pallas_call(
        _final_body,
        grid=(grid,),
        in_specs=[
            pl.BlockSpec((NC, BM, DD), lambda i: (0, i, 0)),
            pl.BlockSpec((NC, BM), lambda i: (0, i)),
        ],
        out_specs=[
            pl.BlockSpec((BM, DD), lambda i: (i, 0)),
            pl.BlockSpec((BM, DD), lambda i: (i, 0)),
        ],
        out_shape=[
            jax.ShapeDtypeStruct((N, DD), jnp.float32),
            jax.ShapeDtypeStruct((N, DD), jnp.float32),
        ],
    )(s, p)


def kernel(x, edge_index, W1, b1, W2, b2):
    row = edge_index[0]
    col = edge_index[1]
    extra = EPAD - E
    k = jnp.arange(extra, dtype=jnp.int32)
    row_p = jnp.concatenate([row, k % N])
    col_p = jnp.concatenate([col, N + k % (NPAD - N)])
    colA = col_p.reshape(NW, A_CHUNKS, CH)
    colC = col_p.reshape(NS, C_CHUNKS, CHC)
    rowC = jnp.concatenate([row_p, row_p + N]).reshape(NW, C_CHUNKS, CHC)

    p = _deg()(colA)
    y = _run_prep(x, W1, b1.reshape(1, DD), W2, b2.reshape(1, DD), p)
    tbl = y.reshape(NC * N, DD)
    s = _prop()(tbl, rowC, colC)
    o2, o1 = _run_final(s, p)
    return (o2, o1)

# --- scband reference (transcript-rebuilt; emitter-appended) ---
"""Pipeline reference for scband-encoder-48739288875184 (READ-ONLY COPY).

The authoritative reference and input builder live on the scoring server;
editing this copy changes nothing except your own understanding.
"""

import jax, jax.numpy as jnp
import numpy as np

N_NODES = 10000
D = 128
N_EDGES = 320000
SCALING = 1.8


def appnp_prop(x, edge_index, n):
    # APPNP(K=1, alpha=0) == one step of GCN-normalized propagation with self-loops
    row = edge_index[0]
    col = edge_index[1]
    loop = jnp.arange(n, dtype=row.dtype)
    row = jnp.concatenate([row, loop])
    col = jnp.concatenate([col, loop])
    w = jnp.ones(row.shape[0], dtype=x.dtype)
    deg = jnp.zeros((n,), dtype=x.dtype).at[col].add(w)
    deg_inv_sqrt = jnp.where(deg > 0, 1.0 / jnp.sqrt(jnp.where(deg > 0, deg, 1.0)), 0.0)
    norm = deg_inv_sqrt[row] * deg_inv_sqrt[col]
    msgs = norm[:, None] * x[row]
    out = jnp.zeros_like(x).at[col].add(msgs)
    return out


def setup_inputs(seed: int = 0):
    key = jax.random.key(seed)
    k1, k2, k3, k4, k5, k6 = jax.random.split(key, 6)
    x = jax.random.normal(k1, (N_NODES, D), dtype=jnp.float32)
    edge_index = jax.random.randint(k2, (2, N_EDGES), 0, N_NODES, dtype=jnp.int32)
    s = 1.0 / np.sqrt(D)
    W1 = jax.random.uniform(k3, (D, D), dtype=jnp.float32, minval=-s, maxval=s)
    b1 = jax.random.uniform(k4, (D,), dtype=jnp.float32, minval=-s, maxval=s)
    W2 = jax.random.uniform(k5, (D, D), dtype=jnp.float32, minval=-s, maxval=s)
    b2 = jax.random.uniform(k6, (D,), dtype=jnp.float32, minval=-s, maxval=s)
    return {"x": x, "edge_index": edge_index, "W1": W1, "b1": b1, "W2": W2, "b2": b2}


def reference(x, edge_index, W1, b1, W2, b2):
    n = x.shape[0]
    x_ = x @ W1.T + b1
    x_ = appnp_prop(x_, edge_index, n)
    x2 = x @ W2.T + b2
    nrm = jnp.sqrt(jnp.sum(x2 * x2, axis=1, keepdims=True))
    x2 = x2 / jnp.maximum(nrm, 1e-12) * SCALING
    x2 = appnp_prop(x2, edge_index, n)
    return (x2, x_)

if __name__ == "__main__":
    import jax
    _d = setup_inputs()
    print(jax.jit(kernel)(*tuple(_d.values())))

</pallas_src>

<mosaic_0001>
#map = affine_map<(d0, d1) -> (0, 0, 0)>
#map1 = affine_map<(d0, d1) -> (0, 0)>
module attributes {stable_mosaic.version = 14 : i64} {
  func.func @_deg_body(%arg0: i32, %arg1: i32, %arg2: memref<32x80x128xi32, #tpu.memory_space<hbm>>, %arg3: memref<2x10240xf32, #tpu.memory_space<hbm>>, %arg4: memref<80x128xi32, #tpu.memory_space<vmem>>, %arg5: memref<128xf32, #tpu.memory_space<vmem>>, %arg6: memref<128xf32, #tpu.memory_space<vmem>>, %arg7: memref<10240xf32, #tpu.memory_space<vmem_shared>>) attributes {dimension_semantics = [#tpu.dimension_semantics<core_parallel>, #tpu.dimension_semantics<subcore_parallel>], iteration_bounds = array<i64: 2, 16>, scalar_prefetch = 0 : i64, scratch_operands = 4 : i64, tpu.core_type = #tpu.core_type<sc_vector_subcore>, window_params = [{transform_indices = #map}, {transform_indices = #map1}]} {
    %mul3A = arith.constant 16 : i32
    %mul3A_0 = arith.muli %arg0, %mul3A : i32
    %add3A = arith.addi %mul3A_0, %arg1 : i32
    %broadcast_in_dim3A = arith.constant 1.000000e+00 : f32
    %broadcast_in_dim3A_1 = vector.broadcast %broadcast_in_dim3A : f32 to vector<16xf32>
    %swap3A = arith.constant 0 : index
    %swap3A_2 = tpu.vector_load %arg5[%swap3A] {strides = array<i32>} : memref<128xf32, #tpu.memory_space<vmem>>, vector<16xf32>,
    %swap3A_3 = vector.shape_cast %swap3A_2 : vector<16xf32> to vector<16xf32>
    %swap3A_4 = vector.shape_cast %broadcast_in_dim3A_1 : vector<16xf32> to vector<16xf32>
    tpu.vector_store %arg5[%swap3A], %swap3A_4 {strides = array<i32>} : memref<128xf32, #tpu.memory_space<vmem>>, vector<16xf32>,
    %broadcast_in_dim3A_5 = arith.constant 0.000000e+00 : f32
    %broadcast_in_dim3A_6 = vector.broadcast %broadcast_in_dim3A_5 : f32 to vector<16xf32>
    %swap3A_7 = arith.constant 0 : index
    %swap3A_8 = tpu.vector_load %arg6[%swap3A_7] {strides = array<i32>} : memref<128xf32, #tpu.memory_space<vmem>>, vector<16xf32>,
    %swap3A_9 = vector.shape_cast %swap3A_8 : vector<16xf32> to vector<16xf32>
    %swap3A_10 = vector.shape_cast %broadcast_in_dim3A_6 : vector<16xf32> to vector<16xf32>
    tpu.vector_store %arg6[%swap3A_7], %swap3A_10 {strides = array<i32>} : memref<128xf32, #tpu.memory_space<vmem>>, vector<16xf32>,
    %broadcast_in_dim3A_11 = arith.constant 1.000000e+00 : f32
    %broadcast_in_dim3A_12 = vector.broadcast %broadcast_in_dim3A_11 : f32 to vector<16xf32>
    %swap3A_13 = arith.constant 16 : index
    %swap3A_14 = tpu.vector_load %arg5[%swap3A_13] {strides = array<i32>} : memref<128xf32, #tpu.memory_space<vmem>>, vector<16xf32>,
    %swap3A_15 = vector.shape_cast %swap3A_14 : vector<16xf32> to vector<16xf32>
    %swap3A_16 = vector.shape_cast %broadcast_in_dim3A_12 : vector<16xf32> to vector<16xf32>
    tpu.vector_store %arg5[%swap3A_13], %swap3A_16 {strides = array<i32>} : memref<128xf32, #tpu.memory_space<vmem>>, vector<16xf32>,
    %broadcast_in_dim3A_17 = arith.constant 0.000000e+00 : f32
    %broadcast_in_dim3A_18 = vector.broadcast %broadcast_in_dim3A_17 : f32 to vector<16xf32>
    %swap3A_19 = arith.constant 16 : index
    %swap3A_20 = tpu.vector_load %arg6[%swap3A_19] {strides = array<i32>} : memref<128xf32, #tpu.memory_space<vmem>>, vector<16xf32>,
    %swap3A_21 = vector.shape_cast %swap3A_20 : vector<16xf32> to vector<16xf32>
    %swap3A_22 = vector.shape_cast %broadcast_in_dim3A_18 : vector<16xf32> to vector<16xf32>
    tpu.vector_store %arg6[%swap3A_19], %swap3A_22 {strides = array<i32>} : memref<128xf32, #tpu.memory_space<vmem>>, vector<16xf32>,
    %broadcast_in_dim3A_23 = arith.constant 1.000000e+00 : f32
    %broadcast_in_dim3A_24 = vector.broadcast %broadcast_in_dim3A_23 : f32 to vector<16xf32>
    %swap3A_25 = arith.constant 32 : index
    %swap3A_26 = tpu.vector_load %arg5[%swap3A_25] {strides = array<i32>} : memref<128xf32, #tpu.memory_space<vmem>>, vector<16xf32>,
    %swap3A_27 = vector.shape_cast %swap3A_26 : vector<16xf32> to vector<16xf32>
    %swap3A_28 = vector.shape_cast %broadcast_in_dim3A_24 : vector<16xf32> to vector<16xf32>
    tpu.vector_store %arg5[%swap3A_25], %swap3A_28 {strides = array<i32>} : memref<128xf32, #tpu.memory_space<vmem>>, vector<16xf32>,
    %broadcast_in_dim3A_29 = arith.constant 0.000000e+00 : f32
    %broadcast_in_dim3A_30 = vector.broadcast %broadcast_in_dim3A_29 : f32 to vector<16xf32>
    %swap3A_31 = arith.constant 32 : index
    %swap3A_32 = tpu.vector_load %arg6[%swap3A_31] {strides = array<i32>} : memref<128xf32, #tpu.memory_space<vmem>>, vector<16xf32>,
    %swap3A_33 = vector.shape_cast %swap3A_32 : vector<16xf32> to vector<16xf32>
    %swap3A_34 = vector.shape_cast %broadcast_in_dim3A_30 : vector<16xf32> to vector<16xf32>
    tpu.vector_store %arg6[%swap3A_31], %swap3A_34 {strides = array<i32>} : memref<128xf32, #tpu.memory_space<vmem>>, vector<16xf32>,
    %broadcast_in_dim3A_35 = arith.constant 1.000000e+00 : f32
    %broadcast_in_dim3A_36 = vector.broadcast %broadcast_in_dim3A_35 : f32 to vector<16xf32>
    %swap3A_37 = arith.constant 48 : index
    %swap3A_38 = tpu.vector_load %arg5[%swap3A_37] {strides = array<i32>} : memref<128xf32, #tpu.memory_space<vmem>>, vector<16xf32>,
    %swap3A_39 = vector.shape_cast %swap3A_38 : vector<16xf32> to vector<16xf32>
    %swap3A_40 = vector.shape_cast %broadcast_in_dim3A_36 : vector<16xf32> to vector<16xf32>
    tpu.vector_store %arg5[%swap3A_37], %swap3A_40 {strides = array<i32>} : memref<128xf32, #tpu.memory_space<vmem>>, vector<16xf32>,
    %broadcast_in_dim3A_41 = arith.constant 0.000000e+00 : f32
    %broadcast_in_dim3A_42 = vector.broadcast %broadcast_in_dim3A_41 : f32 to vector<16xf32>
    %swap3A_43 = arith.constant 48 : index
    %swap3A_44 = tpu.vector_load %arg6[%swap3A_43] {strides = array<i32>} : memref<128xf32, #tpu.memory_space<vmem>>, vector<16xf32>,
    %swap3A_45 = vector.shape_cast %swap3A_44 : vector<16xf32> to vector<16xf32>
    %swap3A_46 = vector.shape_cast %broadcast_in_dim3A_42 : vector<16xf32> to vector<16xf32>
    tpu.vector_store %arg6[%swap3A_43], %swap3A_46 {strides = array<i32>} : memref<128xf32, #tpu.memory_space<vmem>>, vector<16xf32>,
    %broadcast_in_dim3A_47 = arith.constant 1.000000e+00 : f32
    %broadcast_in_dim3A_48 = vector.broadcast %broadcast_in_dim3A_47 : f32 to vector<16xf32>
    %swap3A_49 = arith.constant 64 : index
    %swap3A_50 = tpu.vector_load %arg5[%swap3A_49] {strides = array<i32>} : memref<128xf32, #tpu.memory_space<vmem>>, vector<16xf32>,
    %swap3A_51 = vector.shape_cast %swap3A_50 : vector<16xf32> to vector<16xf32>
    %swap3A_52 = vector.shape_cast %broadcast_in_dim3A_48 : vector<16xf32> to vector<16xf32>
    tpu.vector_store %arg5[%swap3A_49], %swap3A_52 {strides = array<i32>} : memref<128xf32, #tpu.memory_space<vmem>>, vector<16xf32>,
    %broadcast_in_dim3A_53 = arith.constant 0.000000e+00 : f32
    %broadcast_in_dim3A_54 = vector.broadcast %broadcast_in_dim3A_53 : f32 to vector<16xf32>
    %swap3A_55 = arith.constant 64 : index
    %swap3A_56 = tpu.vector_load %arg6[%swap3A_55] {strides = array<i32>} : memref<128xf32, #tpu.memory_space<vmem>>, vector<16xf32>,
    %swap3A_57 = vector.shape_cast %swap3A_56 : vector<16xf32> to vector<16xf32>
    %swap3A_58 = vector.shape_cast %broadcast_in_dim3A_54 : vector<16xf32> to vector<16xf32>
    tpu.vector_store %arg6[%swap3A_55], %swap3A_58 {strides = array<i32>} : memref<128xf32, #tpu.memory_space<vmem>>, vector<16xf32>,
    %broadcast_in_dim3A_59 = arith.constant 1.000000e+00 : f32
    %broadcast_in_dim3A_60 = vector.broadcast %broadcast_in_dim3A_59 : f32 to vector<16xf32>
    %swap3A_61 = arith.constant 80 : index
    %swap3A_62 = tpu.vector_load %arg5[%swap3A_61] {strides = array<i32>} : memref<128xf32, #tpu.memory_space<vmem>>, vector<16xf32>,
    %swap3A_63 = vector.shape_cast %swap3A_62 : vector<16xf32> to vector<16xf32>
    %swap3A_64 = vector.shape_cast %broadcast_in_dim3A_60 : vector<16xf32> to vector<16xf32>
    tpu.vector_store %arg5[%swap3A_61], %swap3A_64 {strides = array<i32>} : memref<128xf32, #tpu.memory_space<vmem>>, vector<16xf32>,
    %broadcast_in_dim3A_65 = arith.constant 0.000000e+00 : f32
    %broadcast_in_dim3A_66 = vector.broadcast %broadcast_in_dim3A_65 : f32 to vector<16xf32>
    %swap3A_67 = arith.constant 80 : index
    %swap3A_68 = tpu.vector_load %arg6[%swap3A_67] {strides = array<i32>} : memref<128xf32, #tpu.memory_space<vmem>>, vector<16xf32>,
    %swap3A_69 = vector.shape_cast %swap3A_68 : vector<16xf32> to vector<16xf32>
    %swap3A_70 = vector.shape_cast %broadcast_in_dim3A_66 : vector<16xf32> to vector<16xf32>
    tpu.vector_store %arg6[%swap3A_67], %swap3A_70 {strides = array<i32>} : memref<128xf32, #tpu.memory_space<vmem>>, vector<16xf32>,
    %broadcast_in_dim3A_71 = arith.constant 1.000000e+00 : f32
    %broadcast_in_dim3A_72 = vector.broadcast %broadcast_in_dim3A_71 : f32 to vector<16xf32>
    %swap3A_73 = arith.constant 96 : index
    %swap3A_74 = tpu.vector_load %arg5[%swap3A_73] {strides = array<i32>} : memref<128xf32, #tpu.memory_space<vmem>>, vector<16xf32>,
    %swap3A_75 = vector.shape_cast %swap3A_74 : vector<16xf32> to vector<16xf32>
    %swap3A_76 = vector.shape_cast %broadcast_in_dim3A_72 : vector<16xf32> to vector<16xf32>
    tpu.vector_store %arg5[%swap3A_73], %swap3A_76 {strides = array<i32>} : memref<128xf32, #tpu.memory_space<vmem>>, vector<16xf32>,
    %broadcast_in_dim3A_77 = arith.constant 0.000000e+00 : f32
    %broadcast_in_dim3A_78 = vector.broadcast %broadcast_in_dim3A_77 : f32 to vector<16xf32>
    %swap3A_79 = arith.constant 96 : index
    %swap3A_80 = tpu.vector_load %arg6[%swap3A_79] {strides = array<i32>} : memref<128xf32, #tpu.memory_space<vmem>>, vector<16xf32>,
    %swap3A_81 = vector.shape_cast %swap3A_80 : vector<16xf32> to vector<16xf32>
    %swap3A_82 = vector.shape_cast %broadcast_in_dim3A_78 : vector<16xf32> to vector<16xf32>
    tpu.vector_store %arg6[%swap3A_79], %swap3A_82 {strides = array<i32>} : memref<128xf32, #tpu.memory_space<vmem>>, vector<16xf32>,
    %broadcast_in_dim3A_83 = arith.constant 1.000000e+00 : f32
    %broadcast_in_dim3A_84 = vector.broadcast %broadcast_in_dim3A_83 : f32 to vector<16xf32>
    %swap3A_85 = arith.constant 112 : index
    %swap3A_86 = tpu.vector_load %arg5[%swap3A_85] {strides = array<i32>} : memref<128xf32, #tpu.memory_space<vmem>>, vector<16xf32>,
    %swap3A_87 = vector.shape_cast %swap3A_86 : vector<16xf32> to vector<16xf32>
    %swap3A_88 = vector.shape_cast %broadcast_in_dim3A_84 : vector<16xf32> to vector<16xf32>
    tpu.vector_store %arg5[%swap3A_85], %swap3A_88 {strides = array<i32>} : memref<128xf32, #tpu.memory_space<vmem>>, vector<16xf32>,
    %broadcast_in_dim3A_89 = arith.constant 0.000000e+00 : f32
    %broadcast_in_dim3A_90 = vector.broadcast %broadcast_in_dim3A_89 : f32 to vector<16xf32>
    %swap3A_91 = arith.constant 112 : index
    %swap3A_92 = tpu.vector_load %arg6[%swap3A_91] {strides = array<i32>} : memref<128xf32, #tpu.memory_space<vmem>>, vector<16xf32>,
    %swap3A_93 = vector.shape_cast %swap3A_92 : vector<16xf32> to vector<16xf32>
    %swap3A_94 = vector.shape_cast %broadcast_in_dim3A_90 : vector<16xf32> to vector<16xf32>
    tpu.vector_store %arg6[%swap3A_91], %swap3A_94 {strides = array<i32>} : memref<128xf32, #tpu.memory_space<vmem>>, vector<16xf32>,
    %mul3A_95 = arith.constant 640 : i32
    %mul3A_96 = arith.muli %arg1, %mul3A_95 : i32
    %add3A_97 = arith.constant 0 : i32
    %add3A_98 = arith.addi %mul3A_96, %add3A_97 : i32
    "tpu.region"() ({
      %run_scoped3A = tpu.sem_alloc : memref<!tpu.dma_semaphore, #tpu.memory_space<semaphore_mem>>
      %dma_start3A = tpu.memref_slice %arg7[%add3A_98] : memref<10240xf32, #tpu.memory_space<vmem_shared>> -> memref<128xf32, #tpu.memory_space<vmem_shared>>
      %dma_start3A_113 = tpu.memref_slice %arg7[%add3A_98] : memref<10240xf32, #tpu.memory_space<vmem_shared>> -> memref<128xf32, #tpu.memory_space<vmem_shared>>
      tpu.enqueue_dma source(%arg6 : memref<128xf32, #tpu.memory_space<vmem>>) target(%dma_start3A_113 : memref<128xf32, #tpu.memory_space<vmem_shared>>) target_semaphore(%run_scoped3A : memref<!tpu.dma_semaphore, #tpu.memory_space<semaphore_mem>>)
      %dma_wait3A = tpu.memref_slice %arg7[%add3A_98] : memref<10240xf32, #tpu.memory_space<vmem_shared>> -> memref<128xf32, #tpu.memory_space<vmem_shared>>
      %dma_wait3A_114 = tpu.memref_slice %arg7[%add3A_98] : memref<10240xf32, #tpu.memory_space<vmem_shared>> -> memref<128xf32, #tpu.memory_space<vmem_shared>>
      tpu.wait_dma2 semaphore(%run_scoped3A : memref<!tpu.dma_semaphore, #tpu.memory_space<semaphore_mem>>) src(%arg6 : memref<128xf32, #tpu.memory_space<vmem>>) dst(%dma_wait3A_114 : memref<128xf32, #tpu.memory_space<vmem_shared>>)
      tpu.yield
    }) : () -> ()
    %add3A_99 = arith.constant 128 : i32
    %add3A_100 = arith.addi %mul3A_96, %add3A_99 : i32
    "tpu.region"() ({
      %run_scoped3A = tpu.sem_alloc : memref<!tpu.dma_semaphore, #tpu.memory_space<semaphore_mem>>
      %dma_start3A = tpu.memref_slice %arg7[%add3A_100] : memref<10240xf32, #tpu.memory_space<vmem_shared>> -> memref<128xf32, #tpu.memory_space<vmem_shared>>
      %dma_start3A_113 = tpu.memref_slice %arg7[%add3A_100] : memref<10240xf32, #tpu.memory_space<vmem_shared>> -> memref<128xf32, #tpu.memory_space<vmem_shared>>
      tpu.enqueue_dma source(%arg6 : memref<128xf32, #tpu.memory_space<vmem>>) target(%dma_start3A_113 : memref<128xf32, #tpu.memory_space<vmem_shared>>) target_semaphore(%run_scoped3A : memref<!tpu.dma_semaphore, #tpu.memory_space<semaphore_mem>>)
      %dma_wait3A = tpu.memref_slice %arg7[%add3A_100] : memref<10240xf32, #tpu.memory_space<vmem_shared>> -> memref<128xf32, #tpu.memory_space<vmem_shared>>
      %dma_wait3A_114 = tpu.memref_slice %arg7[%add3A_100] : memref<10240xf32, #tpu.memory_space<vmem_shared>> -> memref<128xf32, #tpu.memory_space<vmem_shared>>
      tpu.wait_dma2 semaphore(%run_scoped3A : memref<!tpu.dma_semaphore, #tpu.memory_space<semaphore_mem>>) src(%arg6 : memref<128xf32, #tpu.memory_space<vmem>>) dst(%dma_wait3A_114 : memref<128xf32, #tpu.memory_space<vmem_shared>>)
      tpu.yield
    }) : () -> ()
    %add3A_101 = arith.constant 256 : i32
    %add3A_102 = arith.addi %mul3A_96, %add3A_101 : i32
    "tpu.region"() ({
      %run_scoped3A = tpu.sem_alloc : memref<!tpu.dma_semaphore, #tpu.memory_space<semaphore_mem>>
      %dma_start3A = tpu.memref_slice %arg7[%add3A_102] : memref<10240xf32, #tpu.memory_space<vmem_shared>> -> memref<128xf32, #tpu.memory_space<vmem_shared>>
      %dma_start3A_113 = tpu.memref_slice %arg7[%add3A_102] : memref<10240xf32, #tpu.memory_space<vmem_shared>> -> memref<128xf32, #tpu.memory_space<vmem_shared>>
      tpu.enqueue_dma source(%arg6 : memref<128xf32, #tpu.memory_space<vmem>>) target(%dma_start3A_113 : memref<128xf32, #tpu.memory_space<vmem_shared>>) target_semaphore(%run_scoped3A : memref<!tpu.dma_semaphore, #tpu.memory_space<semaphore_mem>>)
      %dma_wait3A = tpu.memref_slice %arg7[%add3A_102] : memref<10240xf32, #tpu.memory_space<vmem_shared>> -> memref<128xf32, #tpu.memory_space<vmem_shared>>
      %dma_wait3A_114 = tpu.memref_slice %arg7[%add3A_102] : memref<10240xf32, #tpu.memory_space<vmem_shared>> -> memref<128xf32, #tpu.memory_space<vmem_shared>>
      tpu.wait_dma2 semaphore(%run_scoped3A : memref<!tpu.dma_semaphore, #tpu.memory_space<semaphore_mem>>) src(%arg6 : memref<128xf32, #tpu.memory_space<vmem>>) dst(%dma_wait3A_114 : memref<128xf32, #tpu.memory_space<vmem_shared>>)
      tpu.yield
    }) : () -> ()
    %add3A_103 = arith.constant 384 : i32
    %add3A_104 = arith.addi %mul3A_96, %add3A_103 : i32
    "tpu.region"() ({
      %run_scoped3A = tpu.sem_alloc : memref<!tpu.dma_semaphore, #tpu.memory_space<semaphore_mem>>
      %dma_start3A = tpu.memref_slice %arg7[%add3A_104] : memref<10240xf32, #tpu.memory_space<vmem_shared>> -> memref<128xf32, #tpu.memory_space<vmem_shared>>
      %dma_start3A_113 = tpu.memref_slice %arg7[%add3A_104] : memref<10240xf32, #tpu.memory_space<vmem_shared>> -> memref<128xf32, #tpu.memory_space<vmem_shared>>
      tpu.enqueue_dma source(%arg6 : memref<128xf32, #tpu.memory_space<vmem>>) target(%dma_start3A_113 : memref<128xf32, #tpu.memory_space<vmem_shared>>) target_semaphore(%run_scoped3A : memref<!tpu.dma_semaphore, #tpu.memory_space<semaphore_mem>>)
      %dma_wait3A = tpu.memref_slice %arg7[%add3A_104] : memref<10240xf32, #tpu.memory_space<vmem_shared>> -> memref<128xf32, #tpu.memory_space<vmem_shared>>
      %dma_wait3A_114 = tpu.memref_slice %arg7[%add3A_104] : memref<10240xf32, #tpu.memory_space<vmem_shared>> -> memref<128xf32, #tpu.memory_space<vmem_shared>>
      tpu.wait_dma2 semaphore(%run_scoped3A : memref<!tpu.dma_semaphore, #tpu.memory_space<semaphore_mem>>) src(%arg6 : memref<128xf32, #tpu.memory_space<vmem>>) dst(%dma_wait3A_114 : memref<128xf32, #tpu.memory_space<vmem_shared>>)
      tpu.yield
    }) : () -> ()
    %add3A_105 = arith.constant 512 : i32
    %add3A_106 = arith.addi %mul3A_96, %add3A_105 : i32
    "tpu.region"() ({
      %run_scoped3A = tpu.sem_alloc : memref<!tpu.dma_semaphore, #tpu.memory_space<semaphore_mem>>
      %dma_start3A = tpu.memref_slice %arg7[%add3A_106] : memref<10240xf32, #tpu.memory_space<vmem_shared>> -> memref<128xf32, #tpu.memory_space<vmem_shared>>
      %dma_start3A_113 = tpu.memref_slice %arg7[%add3A_106] : memref<10240xf32, #tpu.memory_space<vmem_shared>> -> memref<128xf32, #tpu.memory_space<vmem_shared>>
      tpu.enqueue_dma source(%arg6 : memref<128xf32, #tpu.memory_space<vmem>>) target(%dma_start3A_113 : memref<128xf32, #tpu.memory_space<vmem_shared>>) target_semaphore(%run_scoped3A : memref<!tpu.dma_semaphore, #tpu.memory_space<semaphore_mem>>)
      %dma_wait3A = tpu.memref_slice %arg7[%add3A_106] : memref<10240xf32, #tpu.memory_space<vmem_shared>> -> memref<128xf32, #tpu.memory_space<vmem_shared>>
      %dma_wait3A_114 = tpu.memref_slice %arg7[%add3A_106] : memref<10240xf32, #tpu.memory_space<vmem_shared>> -> memref<128xf32, #tpu.memory_space<vmem_shared>>
      tpu.wait_dma2 semaphore(%run_scoped3A : memref<!tpu.dma_semaphore, #tpu.memory_space<semaphore_mem>>) src(%arg6 : memref<128xf32, #tpu.memory_space<vmem>>) dst(%dma_wait3A_114 : memref<128xf32, #tpu.memory_space<vmem_shared>>)
      tpu.yield
    }) : () -> ()
    "tpu.region"() ({
      %run_scoped3A = tpu.sem_alloc : memref<!tpu.dma_semaphore, #tpu.memory_space<semaphore_mem>>
      %dma_start3A = arith.constant 0 : i32
      %dma_start3A_113 = arith.constant 0 : i32
      %dma_start3A_114 = tpu.memref_slice %arg2[%add3A, %dma_start3A, %dma_start3A_113] : memref<32x80x128xi32, #tpu.memory_space<hbm>> -> memref<1x80x128xi32, #tpu.memory_space<hbm>>
      %dma_start3A_115 = tpu.memref_squeeze %dma_start3A_114 : memref<1x80x128xi32, #tpu.memory_space<hbm>> -> memref<80x128xi32, #tpu.memory_space<hbm>>
      %dma_start3A_116 = arith.constant 0 : i32
      %dma_start3A_117 = arith.constant 0 : i32
      %dma_start3A_118 = tpu.memref_slice %arg2[%add3A, %dma_start3A_116, %dma_start3A_117] : memref<32x80x128xi32, #tpu.memory_space<hbm>> -> memref<1x80x128xi32, #tpu.memory_space<hbm>>
      %dma_start3A_119 = tpu.memref_squeeze %dma_start3A_118 : memref<1x80x128xi32, #tpu.memory_space<hbm>> -> memref<80x128xi32, #tpu.memory_space<hbm>>
      tpu.enqueue_dma source(%dma_start3A_119 : memref<80x128xi32, #tpu.memory_space<hbm>>) target(%arg4 : memref<80x128xi32, #tpu.memory_space<vmem>>) target_semaphore(%run_scoped3A : memref<!tpu.dma_semaphore, #tpu.memory_space<semaphore_mem>>)
      %dma_wait3A = arith.constant 0 : i32
      %dma_wait3A_120 = arith.constant 0 : i32
      %dma_wait3A_121 = tpu.memref_slice %arg2[%add3A, %dma_wait3A, %dma_wait3A_120] : memref<32x80x128xi32, #tpu.memory_space<hbm>> -> memref<1x80x128xi32, #tpu.memory_space<hbm>>
      %dma_wait3A_122 = tpu.memref_squeeze %dma_wait3A_121 : memref<1x80x128xi32, #tpu.memory_space<hbm>> -> memref<80x128xi32, #tpu.memory_space<hbm>>
      %dma_wait3A_123 = arith.constant 0 : i32
      %dma_wait3A_124 = arith.constant 0 : i32
      %dma_wait3A_125 = tpu.memref_slice %arg2[%add3A, %dma_wait3A_123, %dma_wait3A_124] : memref<32x80x128xi32, #tpu.memory_space<hbm>> -> memref<1x80x128xi32, #tpu.memory_space<hbm>>
      %dma_wait3A_126 = tpu.memref_squeeze %dma_wait3A_125 : memref<1x80x128xi32, #tpu.memory_space<hbm>> -> memref<80x128xi32, #tpu.memory_space<hbm>>
      tpu.wait_dma2 semaphore(%run_scoped3A : memref<!tpu.dma_semaphore, #tpu.memory_space<semaphore_mem>>) src(%dma_wait3A_126 : memref<80x128xi32, #tpu.memory_space<hbm>>) dst(%arg4 : memref<80x128xi32, #tpu.memory_space<vmem>>)
      tpu.yield
    }) : () -> ()
    %barrier3A = arith.constant 0 : index
    tpu.barrier barrier_id(%barrier3A)
    %scan3A = arith.constant 0 : i32
    %scan3A_107 = arith.constant 0 : i32
    %scan3A_108 = arith.constant 80 : i32
    %scan3A_109 = arith.addi %scan3A_107, %scan3A_108 : i32
    %scan3A_110 = arith.constant 1 : i32
    scf.for %scan3A_113 = %scan3A_107 to %scan3A_109 step %scan3A_110  : i32 {
      "tpu.region"() ({
        %run_scoped3A = tpu.sem_alloc : memref<!tpu.dma_semaphore, #tpu.memory_space<semaphore_mem>>
        %dma_start3A = arith.constant 0 : i32
        %dma_start3A_114 = tpu.memref_slice %arg4[%scan3A_113, %dma_start3A] : memref<80x128xi32, #tpu.memory_space<vmem>> -> memref<1x128xi32, #tpu.memory_space<vmem>>
        %dma_start3A_115 = tpu.memref_squeeze %dma_start3A_114 : memref<1x128xi32, #tpu.memory_space<vmem>> -> memref<128xi32, #tpu.memory_space<vmem>>
        %dma_start3A_116 = arith.constant 0 : i32
        %dma_start3A_117 = tpu.memref_slice %arg7[%dma_start3A_116] : memref<10240xf32, #tpu.memory_space<vmem_shared>> -> memref<10240xf32, #tpu.memory_space<vmem_shared>>
        tpu.enqueue_indirect_dma source(%arg5 : memref<128xf32, #tpu.memory_space<vmem>>) target(%dma_start3A_117 : memref<10240xf32, #tpu.memory_space<vmem_shared>>) offsets(%dma_start3A_115 : memref<128xi32, #tpu.memory_space<vmem>>) semaphore(%run_scoped3A : memref<!tpu.dma_semaphore, #tpu.memory_space<semaphore_mem>>) {add = true}
        %dma_wait3A = arith.constant 0 : i32
        %dma_wait3A_118 = tpu.memref_slice %arg4[%scan3A_113, %dma_wait3A] : memref<80x128xi32, #tpu.memory_space<vmem>> -> memref<1x128xi32, #tpu.memory_space<vmem>>
        %dma_wait3A_119 = tpu.memref_squeeze %dma_wait3A_118 : memref<1x128xi32, #tpu.memory_space<vmem>> -> memref<128xi32, #tpu.memory_space<vmem>>
        %dma_wait3A_120 = arith.constant 0 : i32
        %dma_wait3A_121 = tpu.memref_slice %arg7[%dma_wait3A_120] : memref<10240xf32, #tpu.memory_space<vmem_shared>> -> memref<10240xf32, #tpu.memory_space<vmem_shared>>
        tpu.wait_indirect_dma semaphore(%run_scoped3A : memref<!tpu.dma_semaphore, #tpu.memory_space<semaphore_mem>>) src(%arg5 : memref<128xf32, #tpu.memory_space<vmem>>) dst(%dma_wait3A_121 : memref<10240xf32, #tpu.memory_space<vmem_shared>>)
        tpu.yield
      }) : () -> ()
    }
    %scan3A_111 = arith.constant 80 : i32
    %barrier3A_112 = arith.constant 0 : index
    tpu.barrier barrier_id(%barrier3A_112)
    "tpu.region"() ({
      %run_scoped3A = tpu.sem_alloc : memref<!tpu.dma_semaphore, #tpu.memory_space<semaphore_mem>>
      %dma_start3A = tpu.memref_slice %arg3[%arg0, %mul3A_96] : memref<2x10240xf32, #tpu.memory_space<hbm>> -> memref<1x640xf32, #tpu.memory_space<hbm>>
      %dma_start3A_113 = tpu.memref_squeeze %dma_start3A : memref<1x640xf32, #tpu.memory_space<hbm>> -> memref<640xf32, #tpu.memory_space<hbm>>
      %dma_start3A_114 = tpu.memref_slice %arg7[%mul3A_96] : memref<10240xf32, #tpu.memory_space<vmem_shared>> -> memref<640xf32, #tpu.memory_space<vmem_shared>>
      tpu.enqueue_dma source(%dma_start3A_114 : memref<640xf32, #tpu.memory_space<vmem_shared>>) target(%dma_start3A_113 : memref<640xf32, #tpu.memory_space<hbm>>) target_semaphore(%run_scoped3A : memref<!tpu.dma_semaphore, #tpu.memory_space<semaphore_mem>>)
      %dma_wait3A = tpu.memref_slice %arg3[%arg0, %mul3A_96] : memref<2x10240xf32, #tpu.memory_space<hbm>> -> memref<1x640xf32, #tpu.memory_space<hbm>>
      %dma_wait3A_115 = tpu.memref_squeeze %dma_wait3A : memref<1x640xf32, #tpu.memory_space<hbm>> -> memref<640xf32, #tpu.memory_space<hbm>>
      %dma_wait3A_116 = tpu.memref_slice %arg7[%mul3A_96] : memref<10240xf32, #tpu.memory_space<vmem_shared>> -> memref<640xf32, #tpu.memory_space<vmem_shared>>
      tpu.wait_dma2 semaphore(%run_scoped3A : memref<!tpu.dma_semaphore, #tpu.memory_space<semaphore_mem>>) src(%dma_wait3A_116 : memref<640xf32, #tpu.memory_space<vmem_shared>>) dst(%dma_wait3A_115 : memref<640xf32, #tpu.memory_space<hbm>>)
      tpu.yield
    }) : () -> ()
    return
  }
}

#map = affine_map<(d0, d1) -> (0, 0)>
#map1 = affine_map<(d0, d1) -> (0, 0, 0)>
module attributes {stable_mosaic.version = 14 : i64} {
  func.func @_prop_body(%arg0: i32, %arg1: i32, %arg2: memref<20000x128xf32, #tpu.memory_space<hbm>>, %arg3: memref<32x256x80xi32, #tpu.memory_space<hbm>>, %arg4: memref<16x256x80xi32, #tpu.memory_space<hbm>>, %arg5: memref<2x10240x128xf32, #tpu.memory_space<hbm>>, %arg6: memref<16x80xi32, #tpu.memory_space<vmem>>, %arg7: memref<16x80xi32, #tpu.memory_space<vmem>>, %arg8: memref<16x80xi32, #tpu.memory_space<vmem>>, %arg9: memref<16x80xi32, #tpu.memory_space<vmem>>, %arg10: memref<80x128xf32, #tpu.memory_space<vmem>>, %arg11: memref<80x128xf32, #tpu.memory_space<vmem>>, %arg12: memref<80x128xf32, #tpu.memory_space<vmem>>, %arg13: memref<80x128xf32, #tpu.memory_space<vmem>>, %arg14: memref<!tpu.dma_semaphore, #tpu.memory_space<semaphore_mem>>, %arg15: memref<!tpu.dma_semaphore, #tpu.memory_space<semaphore_mem>>, %arg16: memref<!tpu.dma_semaphore, #tpu.memory_space<semaphore_mem>>, %arg17: memref<!tpu.dma_semaphore, #tpu.memory_space<semaphore_mem>>, %arg18: memref<!tpu.dma_semaphore, #tpu.memory_space<semaphore_mem>>, %arg19: memref<!tpu.dma_semaphore, #tpu.memory_space<semaphore_mem>>, %arg20: memref<!tpu.dma_semaphore, #tpu.memory_space<semaphore_mem>>, %arg21: memref<!tpu.dma_semaphore, #tpu.memory_space<semaphore_mem>>, %arg22: memref<!tpu.dma_semaphore, #tpu.memory_space<semaphore_mem>>, %arg23: memref<10240x128xf32, #tpu.memory_space<vmem_shared>>) attributes {dimension_semantics = [#tpu.dimension_semantics<core_parallel>, #tpu.dimension_semantics<subcore_parallel>], iteration_bounds = array<i64: 2, 16>, scalar_prefetch = 0 : i64, scratch_operands = 18 : i64, tpu.core_type = #tpu.core_type<sc_vector_subcore>, window_params = [{transform_indices = #map}, {transform_indices = #map1}, {transform_indices = #map1}, {transform_indices = #map1}]} {
    %mul3A = arith.constant 16 : i32
    %mul3A_0 = arith.muli %arg0, %mul3A : i32
    %add3A = arith.addi %mul3A_0, %arg1 : i32
    %mul3A_1 = arith.constant 640 : i32
    %mul3A_2 = arith.muli %arg1, %mul3A_1 : i32
    %lt3A = arith.constant 15 : i32
    %lt3A_3 = arith.cmpi slt, %arg1, %lt3A : i32
    %convert_element_type3A = arith.extui %lt3A_3 : i1 to i32
    %cond3A = arith.constant 0 : i32
    %cond3A_4 = arith.cmpi ne, %convert_element_type3A, %cond3A : i32
    scf.if %cond3A_4 {
      %mul3A_15 = arith.constant 10000 : i32
      %mul3A_16 = arith.muli %arg0, %mul3A_15 : i32
      %add3A_17 = arith.addi %mul3A_16, %mul3A_2 : i32
      "tpu.region"() ({
        %run_scoped3A = tpu.sem_alloc : memref<!tpu.dma_semaphore, #tpu.memory_space<semaphore_mem>>
        %dma_start3A = arith.constant 0 : i32
        %dma_start3A_18 = tpu.memref_slice %arg23[%mul3A_2, %dma_start3A] : memref<10240x128xf32, #tpu.memory_space<vmem_shared>> -> memref<640x128xf32, #tpu.memory_space<vmem_shared>>
        %dma_start3A_19 = arith.constant 0 : i32
        %dma_start3A_20 = tpu.memref_slice %arg2[%add3A_17, %dma_start3A_19] : memref<20000x128xf32, #tpu.memory_space<hbm>> -> memref<640x128xf32, #tpu.memory_space<hbm>>
        tpu.enqueue_dma source(%dma_start3A_20 : memref<640x128xf32, #tpu.memory_space<hbm>>) target(%dma_start3A_18 : memref<640x128xf32, #tpu.memory_space<vmem_shared>>) target_semaphore(%run_scoped3A : memref<!tpu.dma_semaphore, #tpu.memory_space<semaphore_mem>>)
        %dma_wait3A = arith.constant 0 : i32
        %dma_wait3A_21 = tpu.memref_slice %arg23[%mul3A_2, %dma_wait3A] : memref<10240x128xf32, #tpu.memory_space<vmem_shared>> -> memref<640x128xf32, #tpu.memory_space<vmem_shared>>
        %dma_wait3A_22 = arith.constant 0 : i32
        %dma_wait3A_23 = tpu.memref_slice %arg2[%add3A_17, %dma_wait3A_22] : memref<20000x128xf32, #tpu.memory_space<hbm>> -> memref<640x128xf32, #tpu.memory_space<hbm>>
        tpu.wait_dma2 semaphore(%run_scoped3A : memref<!tpu.dma_semaphore, #tpu.memory_space<semaphore_mem>>) src(%dma_wait3A_23 : memref<640x128xf32, #tpu.memory_space<hbm>>) dst(%dma_wait3A_21 : memref<640x128xf32, #tpu.memory_space<vmem_shared>>)
        tpu.yield
      }) : () -> ()
    } else {
    }
    %eq3A = arith.constant 15 : i32
    %eq3A_5 = arith.cmpi eq, %arg1, %eq3A : i32
    %convert_element_type3A_6 = arith.extui %eq3A_5 : i1 to i32
    %cond3A_7 = arith.constant 0 : i32
    %cond3A_8 = arith.cmpi ne, %convert_element_type3A_6, %cond3A_7 : i32
    scf.if %cond3A_8 {
      %mul3A_15 = arith.constant 10000 : i32
      %mul3A_16 = arith.muli %arg0, %mul3A_15 : i32
      %add3A_17 = arith.addi %mul3A_16, %mul3A_2 : i32
      "tpu.region"() ({
        %run_scoped3A = tpu.sem_alloc : memref<!tpu.dma_semaphore, #tpu.memory_space<semaphore_mem>>
        %dma_start3A = arith.constant 0 : i32
        %dma_start3A_18 = tpu.memref_slice %arg23[%mul3A_2, %dma_start3A] : memref<10240x128xf32, #tpu.memory_space<vmem_shared>> -> memref<400x128xf32, #tpu.memory_space<vmem_shared>>
        %dma_start3A_19 = arith.constant 0 : i32
        %dma_start3A_20 = tpu.memref_slice %arg2[%add3A_17, %dma_start3A_19] : memref<20000x128xf32, #tpu.memory_space<hbm>> -> memref<400x128xf32, #tpu.memory_space<hbm>>
        tpu.enqueue_dma source(%dma_start3A_20 : memref<400x128xf32, #tpu.memory_space<hbm>>) target(%dma_start3A_18 : memref<400x128xf32, #tpu.memory_space<vmem_shared>>) target_semaphore(%run_scoped3A : memref<!tpu.dma_semaphore, #tpu.memory_space<semaphore_mem>>)
        %dma_wait3A = arith.constant 0 : i32
        %dma_wait3A_21 = tpu.memref_slice %arg23[%mul3A_2, %dma_wait3A] : memref<10240x128xf32, #tpu.memory_space<vmem_shared>> -> memref<400x128xf32, #tpu.memory_space<vmem_shared>>
        %dma_wait3A_22 = arith.constant 0 : i32
        %dma_wait3A_23 = tpu.memref_slice %arg2[%add3A_17, %dma_wait3A_22] : memref<20000x128xf32, #tpu.memory_space<hbm>> -> memref<400x128xf32, #tpu.memory_space<hbm>>
        tpu.wait_dma2 semaphore(%run_scoped3A : memref<!tpu.dma_semaphore, #tpu.memory_space<semaphore_mem>>) src(%dma_wait3A_23 : memref<400x128xf32, #tpu.memory_space<hbm>>) dst(%dma_wait3A_21 : memref<400x128xf32, #tpu.memory_space<vmem_shared>>)
        tpu.yield
      }) : () -> ()
    } else {
    }
    %barrier3A = arith.constant 0 : index
    tpu.barrier barrier_id(%barrier3A)
    "tpu.region"() ({
      %run_scoped3A = tpu.sem_alloc : memref<!tpu.dma_semaphore, #tpu.memory_space<semaphore_mem>>
      %dma_start3A = arith.constant 0 : i32
      %dma_start3A_15 = arith.constant 0 : i32
      %dma_start3A_16 = tpu.memref_slice %arg3[%add3A, %dma_start3A, %dma_start3A_15] : memref<32x256x80xi32, #tpu.memory_space<hbm>> -> memref<1x16x80xi32, #tpu.memory_space<hbm>>
      %dma_start3A_17 = tpu.memref_squeeze %dma_start3A_16 : memref<1x16x80xi32, #tpu.memory_space<hbm>> -> memref<16x80xi32, #tpu.memory_space<hbm>>
      %dma_start3A_18 = arith.constant 0 : i32
      %dma_start3A_19 = arith.constant 0 : i32
      %dma_start3A_20 = tpu.memref_slice %arg3[%add3A, %dma_start3A_18, %dma_start3A_19] : memref<32x256x80xi32, #tpu.memory_space<hbm>> -> memref<1x16x80xi32, #tpu.memory_space<hbm>>
      %dma_start3A_21 = tpu.memref_squeeze %dma_start3A_20 : memref<1x16x80xi32, #tpu.memory_space<hbm>> -> memref<16x80xi32, #tpu.memory_space<hbm>>
      tpu.enqueue_dma source(%dma_start3A_21 : memref<16x80xi32, #tpu.memory_space<hbm>>) target(%arg6 : memref<16x80xi32, #tpu.memory_space<vmem>>) target_semaphore(%run_scoped3A : memref<!tpu.dma_semaphore, #tpu.memory_space<semaphore_mem>>)
      %dma_wait3A = arith.constant 0 : i32
      %dma_wait3A_22 = arith.constant 0 : i32
      %dma_wait3A_23 = tpu.memref_slice %arg3[%add3A, %dma_wait3A, %dma_wait3A_22] : memref<32x256x80xi32, #tpu.memory_space<hbm>> -> memref<1x16x80xi32, #tpu.memory_space<hbm>>
      %dma_wait3A_24 = tpu.memref_squeeze %dma_wait3A_23 : memref<1x16x80xi32, #tpu.memory_space<hbm>> -> memref<16x80xi32, #tpu.memory_space<hbm>>
      %dma_wait3A_25 = arith.constant 0 : i32
      %dma_wait3A_26 = arith.constant 0 : i32
      %dma_wait3A_27 = tpu.memref_slice %arg3[%add3A, %dma_wait3A_25, %dma_wait3A_26] : memref<32x256x80xi32, #tpu.memory_space<hbm>> -> memref<1x16x80xi32, #tpu.memory_space<hbm>>
      %dma_wait3A_28 = tpu.memref_squeeze %dma_wait3A_27 : memref<1x16x80xi32, #tpu.memory_space<hbm>> -> memref<16x80xi32, #tpu.memory_space<hbm>>
      tpu.wait_dma2 semaphore(%run_scoped3A : memref<!tpu.dma_semaphore, #tpu.memory_space<semaphore_mem>>) src(%dma_wait3A_28 : memref<16x80xi32, #tpu.memory_space<hbm>>) dst(%arg6 : memref<16x80xi32, #tpu.memory_space<vmem>>)
      tpu.yield
    }) : () -> ()
    "tpu.region"() ({
      %run_scoped3A = tpu.sem_alloc : memref<!tpu.dma_semaphore, #tpu.memory_space<semaphore_mem>>
      %dma_start3A = arith.constant 0 : i32
      %dma_start3A_15 = arith.constant 0 : i32
      %dma_start3A_16 = tpu.memref_slice %arg4[%arg1, %dma_start3A, %dma_start3A_15] : memref<16x256x80xi32, #tpu.memory_space<hbm>> -> memref<1x16x80xi32, #tpu.memory_space<hbm>>
      %dma_start3A_17 = tpu.memref_squeeze %dma_start3A_16 : memref<1x16x80xi32, #tpu.memory_space<hbm>> -> memref<16x80xi32, #tpu.memory_space<hbm>>
      %dma_start3A_18 = arith.constant 0 : i32
      %dma_start3A_19 = arith.constant 0 : i32
      %dma_start3A_20 = tpu.memref_slice %arg4[%arg1, %dma_start3A_18, %dma_start3A_19] : memref<16x256x80xi32, #tpu.memory_space<hbm>> -> memref<1x16x80xi32, #tpu.memory_space<hbm>>
      %dma_start3A_21 = tpu.memref_squeeze %dma_start3A_20 : memref<1x16x80xi32, #tpu.memory_space<hbm>> -> memref<16x80xi32, #tpu.memory_space<hbm>>
      tpu.enqueue_dma source(%dma_start3A_21 : memref<16x80xi32, #tpu.memory_space<hbm>>) target(%arg7 : memref<16x80xi32, #tpu.memory_space<vmem>>) target_semaphore(%run_scoped3A : memref<!tpu.dma_semaphore, #tpu.memory_space<semaphore_mem>>)
      %dma_wait3A = arith.constant 0 : i32
      %dma_wait3A_22 = arith.constant 0 : i32
      %dma_wait3A_23 = tpu.memref_slice %arg4[%arg1, %dma_wait3A, %dma_wait3A_22] : memref<16x256x80xi32, #tpu.memory_space<hbm>> -> memref<1x16x80xi32, #tpu.memory_space<hbm>>
      %dma_wait3A_24 = tpu.memref_squeeze %dma_wait3A_23 : memref<1x16x80xi32, #tpu.memory_space<hbm>> -> memref<16x80xi32, #tpu.memory_space<hbm>>
      %dma_wait3A_25 = arith.constant 0 : i32
      %dma_wait3A_26 = arith.constant 0 : i32
      %dma_wait3A_27 = tpu.memref_slice %arg4[%arg1, %dma_wait3A_25, %dma_wait3A_26] : memref<16x256x80xi32, #tpu.memory_space<hbm>> -> memref<1x16x80xi32, #tpu.memory_space<hbm>>
      %dma_wait3A_28 = tpu.memref_squeeze %dma_wait3A_27 : memref<1x16x80xi32, #tpu.memory_space<hbm>> -> memref<16x80xi32, #tpu.memory_space<hbm>>
      tpu.wait_dma2 semaphore(%run_scoped3A : memref<!tpu.dma_semaphore, #tpu.memory_space<semaphore_mem>>) src(%dma_wait3A_28 : memref<16x80xi32, #tpu.memory_space<hbm>>) dst(%arg7 : memref<16x80xi32, #tpu.memory_space<vmem>>)
      tpu.yield
    }) : () -> ()
    %scan3A = arith.constant 0 : i32
    %scan3A_9 = arith.constant 0 : i32
    %scan3A_10 = arith.constant 8 : i32
    %scan3A_11 = arith.addi %scan3A_9, %scan3A_10 : i32
    %scan3A_12 = arith.constant 1 : i32
    scf.for %scan3A_15 = %scan3A_9 to %scan3A_11 step %scan3A_12  : i32 {
      %mul3A_16 = arith.constant 2 : i32
      %mul3A_17 = arith.muli %mul3A_16, %scan3A_15 : i32
      %add3A_18 = arith.constant 1 : i32
      %add3A_19 = arith.addi %mul3A_17, %add3A_18 : i32
      %mul3A_20 = arith.constant 16 : i32
      %mul3A_21 = arith.muli %add3A_19, %mul3A_20 : i32
      %dma_start3A = arith.constant 0 : i32
      %dma_start3A_22 = tpu.memref_slice %arg3[%add3A, %mul3A_21, %dma_start3A] : memref<32x256x80xi32, #tpu.memory_space<hbm>> -> memref<1x16x80xi32, #tpu.memory_space<hbm>>
      %dma_start3A_23 = tpu.memref_squeeze %dma_start3A_22 : memref<1x16x80xi32, #tpu.memory_space<hbm>> -> memref<16x80xi32, #tpu.memory_space<hbm>>
      %dma_start3A_24 = arith.constant 0 : i32
      %dma_start3A_25 = tpu.memref_slice %arg3[%add3A, %mul3A_21, %dma_start3A_24] : memref<32x256x80xi32, #tpu.memory_space<hbm>> -> memref<1x16x80xi32, #tpu.memory_space<hbm>>
      %dma_start3A_26 = tpu.memref_squeeze %dma_start3A_25 : memref<1x16x80xi32, #tpu.memory_space<hbm>> -> memref<16x80xi32, #tpu.memory_space<hbm>>
      tpu.enqueue_dma source(%dma_start3A_26 : memref<16x80xi32, #tpu.memory_space<hbm>>) target(%arg8 : memref<16x80xi32, #tpu.memory_space<vmem>>) target_semaphore(%arg22 : memref<!tpu.dma_semaphore, #tpu.memory_space<semaphore_mem>>)
      %add3A_27 = arith.constant 1 : i32
      %add3A_28 = arith.addi %mul3A_17, %add3A_27 : i32
      %mul3A_29 = arith.constant 16 : i32
      %mul3A_30 = arith.muli %add3A_28, %mul3A_29 : i32
      %dma_start3A_31 = arith.constant 0 : i32
      %dma_start3A_32 = tpu.memref_slice %arg4[%arg1, %mul3A_30, %dma_start3A_31] : memref<16x256x80xi32, #tpu.memory_space<hbm>> -> memref<1x16x80xi32, #tpu.memory_space<hbm>>
      %dma_start3A_33 = tpu.memref_squeeze %dma_start3A_32 : memref<1x16x80xi32, #tpu.memory_space<hbm>> -> memref<16x80xi32, #tpu.memory_space<hbm>>
      %dma_start3A_34 = arith.constant 0 : i32
      %dma_start3A_35 = tpu.memref_slice %arg4[%arg1, %mul3A_30, %dma_start3A_34] : memref<16x256x80xi32, #tpu.memory_space<hbm>> -> memref<1x16x80xi32, #tpu.memory_space<hbm>>
      %dma_start3A_36 = tpu.memref_squeeze %dma_start3A_35 : memref<1x16x80xi32, #tpu.memory_space<hbm>> -> memref<16x80xi32, #tpu.memory_space<hbm>>
      tpu.enqueue_dma source(%dma_start3A_36 : memref<16x80xi32, #tpu.memory_space<hbm>>) target(%arg9 : memref<16x80xi32, #tpu.memory_space<vmem>>) target_semaphore(%arg22 : memref<!tpu.dma_semaphore, #tpu.memory_space<semaphore_mem>>)
      %dma_start3A_37 = arith.constant 0 : i32
      %dma_start3A_38 = arith.constant 0 : i32
      %dma_start3A_39 = tpu.memref_slice %arg6[%dma_start3A_37, %dma_start3A_38] : memref<16x80xi32, #tpu.memory_space<vmem>> -> memref<1x80xi32, #tpu.memory_space<vmem>>
      %dma_start3A_40 = tpu.memref_squeeze %dma_start3A_39 : memref<1x80xi32, #tpu.memory_space<vmem>> -> memref<80xi32, #tpu.memory_space<vmem>>
      %dma_start3A_41 = arith.constant 0 : i32
      %dma_start3A_42 = arith.constant 0 : i32
      %dma_start3A_43 = tpu.memref_slice %arg2[%dma_start3A_41, %dma_start3A_42] : memref<20000x128xf32, #tpu.memory_space<hbm>> -> memref<20000x128xf32, #tpu.memory_space<hbm>>
      tpu.enqueue_indirect_dma source(%dma_start3A_43 : memref<20000x128xf32, #tpu.memory_space<hbm>>) target(%arg10 : memref<80x128xf32, #tpu.memory_space<vmem>>) offsets(%dma_start3A_40 : memref<80xi32, #tpu.memory_space<vmem>>) semaphore(%arg14 : memref<!tpu.dma_semaphore, #tpu.memory_space<semaphore_mem>>)
      %dma_start3A_44 = arith.constant 1 : i32
      %dma_start3A_45 = arith.constant 0 : i32
      %dma_start3A_46 = tpu.memref_slice %arg6[%dma_start3A_44, %dma_start3A_45] : memref<16x80xi32, #tpu.memory_space<vmem>> -> memref<1x80xi32, #tpu.memory_space<vmem>>
      %dma_start3A_47 = tpu.memref_squeeze %dma_start3A_46 : memref<1x80xi32, #tpu.memory_space<vmem>> -> memref<80xi32, #tpu.memory_space<vmem>>
      %dma_start3A_48 = arith.constant 0 : i32
      %dma_start3A_49 = arith.constant 0 : i32
      %dma_start3A_50 = tpu.memref_slice %arg2[%dma_start3A_48, %dma_start3A_49] : memref<20000x128xf32, #tpu.memory_space<hbm>> -> memref<20000x128xf32, #tpu.memory_space<hbm>>
      tpu.enqueue_indirect_dma source(%dma_start3A_50 : memref<20000x128xf32, #tpu.memory_space<hbm>>) target(%arg11 : memref<80x128xf32, #tpu.memory_space<vmem>>) offsets(%dma_start3A_47 : memref<80xi32, #tpu.memory_space<vmem>>) semaphore(%arg15 : memref<!tpu.dma_semaphore, #tpu.memory_space<semaphore_mem>>)
      %dma_start3A_51 = arith.constant 2 : i32
      %dma_start3A_52 = arith.constant 0 : i32
      %dma_start3A_53 = tpu.memref_slice %arg6[%dma_start3A_51, %dma_start3A_52] : memref<16x80xi32, #tpu.memory_space<vmem>> -> memref<1x80xi32, #tpu.memory_space<vmem>>
      %dma_start3A_54 = tpu.memref_squeeze %dma_start3A_53 : memref<1x80xi32, #tpu.memory_space<vmem>> -> memref<80xi32, #tpu.memory_space<vmem>>
      %dma_start3A_55 = arith.constant 0 : i32
      %dma_start3A_56 = arith.constant 0 : i32
      %dma_start3A_57 = tpu.memref_slice %arg2[%dma_start3A_55, %dma_start3A_56] : memref<20000x128xf32, #tpu.memory_space<hbm>> -> memref<20000x128xf32, #tpu.memory_space<hbm>>
      tpu.enqueue_indirect_dma source(%dma_start3A_57 : memref<20000x128xf32, #tpu.memory_space<hbm>>) target(%arg12 : memref<80x128xf32, #tpu.memory_space<vmem>>) offsets(%dma_start3A_54 : memref<80xi32, #tpu.memory_space<vmem>>) semaphore(%arg16 : memref<!tpu.dma_semaphore, #tpu.memory_space<semaphore_mem>>)
      %dma_start3A_58 = arith.constant 3 : i32
      %dma_start3A_59 = arith.constant 0 : i32
      %dma_start3A_60 = tpu.memref_slice %arg6[%dma_start3A_58, %dma_start3A_59] : memref<16x80xi32, #tpu.memory_space<vmem>> -> memref<1x80xi32, #tpu.memory_space<vmem>>
      %dma_start3A_61 = tpu.memref_squeeze %dma_start3A_60 : memref<1x80xi32, #tpu.memory_space<vmem>> -> memref<80xi32, #tpu.memory_space<vmem>>
      %dma_start3A_62 = arith.constant 0 : i32
      %dma_start3A_63 = arith.constant 0 : i32
      %dma_start3A_64 = tpu.memref_slice %arg2[%dma_start3A_62, %dma_start3A_63] : memref<20000x128xf32, #tpu.memory_space<hbm>> -> memref<20000x128xf32, #tpu.memory_space<hbm>>
      tpu.enqueue_indirect_dma source(%dma_start3A_64 : memref<20000x128xf32, #tpu.memory_space<hbm>>) target(%arg13 : memref<80x128xf32, #tpu.memory_space<vmem>>) offsets(%dma_start3A_61 : memref<80xi32, #tpu.memory_space<vmem>>) semaphore(%arg17 : memref<!tpu.dma_semaphore, #tpu.memory_space<semaphore_mem>>)
      %scan3A_65 = arith.constant 0 : i32
      %scan3A_66 = arith.constant 0 : i32
      %scan3A_67 = arith.constant 4 : i32
      %scan3A_68 = arith.addi %scan3A_66, %scan3A_67 : i32
      %scan3A_69 = arith.constant 1 : i32
      scf.for %scan3A_130 = %scan3A_66 to %scan3A_68 step %scan3A_69  : i32 {
        %mul3A_131 = arith.constant 4 : i32
        %mul3A_132 = arith.muli %mul3A_131, %scan3A_130 : i32
        %dma_wait3A_133 = arith.constant 0 : i32
        %dma_wait3A_134 = arith.constant 0 : i32
        %dma_wait3A_135 = tpu.memref_slice %arg6[%dma_wait3A_133, %dma_wait3A_134] : memref<16x80xi32, #tpu.memory_space<vmem>> -> memref<1x80xi32, #tpu.memory_space<vmem>>
        %dma_wait3A_136 = tpu.memref_squeeze %dma_wait3A_135 : memref<1x80xi32, #tpu.memory_space<vmem>> -> memref<80xi32, #tpu.memory_space<vmem>>
        %dma_wait3A_137 = arith.constant 0 : i32
        %dma_wait3A_138 = arith.constant 0 : i32
        %dma_wait3A_139 = tpu.memref_slice %arg2[%dma_wait3A_137, %dma_wait3A_138] : memref<20000x128xf32, #tpu.memory_space<hbm>> -> memref<20000x128xf32, #tpu.memory_space<hbm>>
        tpu.wait_indirect_dma semaphore(%arg14 : memref<!tpu.dma_semaphore, #tpu.memory_space<semaphore_mem>>) src(%dma_wait3A_139 : memref<20000x128xf32, #tpu.memory_space<hbm>>) dst(%arg10 : memref<80x128xf32, #tpu.memory_space<vmem>>)
        %add3A_140 = arith.constant 0 : i32
        %add3A_141 = arith.addi %mul3A_132, %add3A_140 : i32
        %dma_start3A_142 = arith.constant 0 : i32
        %dma_start3A_143 = tpu.memref_slice %arg7[%add3A_141, %dma_start3A_142] : memref<16x80xi32, #tpu.memory_space<vmem>> -> memref<1x80xi32, #tpu.memory_space<vmem>>
        %dma_start3A_144 = tpu.memref_squeeze %dma_start3A_143 : memref<1x80xi32, #tpu.memory_space<vmem>> -> memref<80xi32, #tpu.memory_space<vmem>>
        %dma_start3A_145 = arith.constant 0 : i32
        %dma_start3A_146 = arith.constant 0 : i32
        %dma_start3A_147 = tpu.memref_slice %arg23[%dma_start3A_145, %dma_start3A_146] : memref<10240x128xf32, #tpu.memory_space<vmem_shared>> -> memref<10240x128xf32, #tpu.memory_space<vmem_shared>>
        tpu.enqueue_indirect_dma source(%arg10 : memref<80x128xf32, #tpu.memory_space<vmem>>) target(%dma_start3A_147 : memref<10240x128xf32, #tpu.memory_space<vmem_shared>>) offsets(%dma_start3A_144 : memref<80xi32, #tpu.memory_space<vmem>>) semaphore(%arg18 : memref<!tpu.dma_semaphore, #tpu.memory_space<semaphore_mem>>) {add = true}
        %dma_wait3A_148 = arith.constant 0 : i32
        %dma_wait3A_149 = arith.constant 0 : i32
        %dma_wait3A_150 = tpu.memref_slice %arg6[%dma_wait3A_148, %dma_wait3A_149] : memref<16x80xi32, #tpu.memory_space<vmem>> -> memref<1x80xi32, #tpu.memory_space<vmem>>
        %dma_wait3A_151 = tpu.memref_squeeze %dma_wait3A_150 : memref<1x80xi32, #tpu.memory_space<vmem>> -> memref<80xi32, #tpu.memory_space<vmem>>
        %dma_wait3A_152 = arith.constant 0 : i32
        %dma_wait3A_153 = arith.constant 0 : i32
        %dma_wait3A_154 = tpu.memref_slice %arg2[%dma_wait3A_152, %dma_wait3A_153] : memref<20000x128xf32, #tpu.memory_space<hbm>> -> memref<20000x128xf32, #tpu.memory_space<hbm>>
        tpu.wait_indirect_dma semaphore(%arg15 : memref<!tpu.dma_semaphore, #tpu.memory_space<semaphore_mem>>) src(%dma_wait3A_154 : memref<20000x128xf32, #tpu.memory_space<hbm>>) dst(%arg11 : memref<80x128xf32, #tpu.memory_space<vmem>>)
        %add3A_155 = arith.constant 1 : i32
        %add3A_156 = arith.addi %mul3A_132, %add3A_155 : i32
        %dma_start3A_157 = arith.constant 0 : i32
        %dma_start3A_158 = tpu.memref_slice %arg7[%add3A_156, %dma_start3A_157] : memref<16x80xi32, #tpu.memory_space<vmem>> -> memref<1x80xi32, #tpu.memory_space<vmem>>
        %dma_start3A_159 = tpu.memref_squeeze %dma_start3A_158 : memref<1x80xi32, #tpu.memory_space<vmem>> -> memref<80xi32, #tpu.memory_space<vmem>>
        %dma_start3A_160 = arith.constant 0 : i32
        %dma_start3A_161 = arith.constant 0 : i32
        %dma_start3A_162 = tpu.memref_slice %arg23[%dma_start3A_160, %dma_start3A_161] : memref<10240x128xf32, #tpu.memory_space<vmem_shared>> -> memref<10240x128xf32, #tpu.memory_space<vmem_shared>>
        tpu.enqueue_indirect_dma source(%arg11 : memref<80x128xf32, #tpu.memory_space<vmem>>) target(%dma_start3A_162 : memref<10240x128xf32, #tpu.memory_space<vmem_shared>>) offsets(%dma_start3A_159 : memref<80xi32, #tpu.memory_space<vmem>>) semaphore(%arg19 : memref<!tpu.dma_semaphore, #tpu.memory_space<semaphore_mem>>) {add = true}
        %dma_wait3A_163 = arith.constant 0 : i32
        %dma_wait3A_164 = arith.constant 0 : i32
        %dma_wait3A_165 = tpu.memref_slice %arg6[%dma_wait3A_163, %dma_wait3A_164] : memref<16x80xi32, #tpu.memory_space<vmem>> -> memref<1x80xi32, #tpu.memory_space<vmem>>
        %dma_wait3A_166 = tpu.memref_squeeze %dma_wait3A_165 : memref<1x80xi32, #tpu.memory_space<vmem>> -> memref<80xi32, #tpu.memory_space<vmem>>
        %dma_wait3A_167 = arith.constant 0 : i32
        %dma_wait3A_168 = arith.constant 0 : i32
        %dma_wait3A_169 = tpu.memref_slice %arg2[%dma_wait3A_167, %dma_wait3A_168] : memref<20000x128xf32, #tpu.memory_space<hbm>> -> memref<20000x128xf32, #tpu.memory_space<hbm>>
        tpu.wait_indirect_dma semaphore(%arg16 : memref<!tpu.dma_semaphore, #tpu.memory_space<semaphore_mem>>) src(%dma_wait3A_169 : memref<20000x128xf32, #tpu.memory_space<hbm>>) dst(%arg12 : memref<80x128xf32, #tpu.memory_space<vmem>>)
        %add3A_170 = arith.constant 2 : i32
        %add3A_171 = arith.addi %mul3A_132, %add3A_170 : i32
        %dma_start3A_172 = arith.constant 0 : i32
        %dma_start3A_173 = tpu.memref_slice %arg7[%add3A_171, %dma_start3A_172] : memref<16x80xi32, #tpu.memory_space<vmem>> -> memref<1x80xi32, #tpu.memory_space<vmem>>
        %dma_start3A_174 = tpu.memref_squeeze %dma_start3A_173 : memref<1x80xi32, #tpu.memory_space<vmem>> -> memref<80xi32, #tpu.memory_space<vmem>>
        %dma_start3A_175 = arith.constant 0 : i32
        %dma_start3A_176 = arith.constant 0 : i32
        %dma_start3A_177 = tpu.memref_slice %arg23[%dma_start3A_175, %dma_start3A_176] : memref<10240x128xf32, #tpu.memory_space<vmem_shared>> -> memref<10240x128xf32, #tpu.memory_space<vmem_shared>>
        tpu.enqueue_indirect_dma source(%arg12 : memref<80x128xf32, #tpu.memory_space<vmem>>) target(%dma_start3A_177 : memref<10240x128xf32, #tpu.memory_space<vmem_shared>>) offsets(%dma_start3A_174 : memref<80xi32, #tpu.memory_space<vmem>>) semaphore(%arg20 : memref<!tpu.dma_semaphore, #tpu.memory_space<semaphore_mem>>) {add = true}
        %dma_wait3A_178 = arith.constant 0 : i32
        %dma_wait3A_179 = arith.constant 0 : i32
        %dma_wait3A_180 = tpu.memref_slice %arg6[%dma_wait3A_178, %dma_wait3A_179] : memref<16x80xi32, #tpu.memory_space<vmem>> -> memref<1x80xi32, #tpu.memory_space<vmem>>
        %dma_wait3A_181 = tpu.memref_squeeze %dma_wait3A_180 : memref<1x80xi32, #tpu.memory_space<vmem>> -> memref<80xi32, #tpu.memory_space<vmem>>
        %dma_wait3A_182 = arith.constant 0 : i32
        %dma_wait3A_183 = arith.constant 0 : i32
        %dma_wait3A_184 = tpu.memref_slice %arg2[%dma_wait3A_182, %dma_wait3A_183] : memref<20000x128xf32, #tpu.memory_space<hbm>> -> memref<20000x128xf32, #tpu.memory_space<hbm>>
        tpu.wait_indirect_dma semaphore(%arg17 : memref<!tpu.dma_semaphore, #tpu.memory_space<semaphore_mem>>) src(%dma_wait3A_184 : memref<20000x128xf32, #tpu.memory_space<hbm>>) dst(%arg13 : memref<80x128xf32, #tpu.memory_space<vmem>>)
        %add3A_185 = arith.constant 3 : i32
        %add3A_186 = arith.addi %mul3A_132, %add3A_185 : i32
        %dma_start3A_187 = arith.constant 0 : i32
        %dma_start3A_188 = tpu.memref_slice %arg7[%add3A_186, %dma_start3A_187] : memref<16x80xi32, #tpu.memory_space<vmem>> -> memref<1x80xi32, #tpu.memory_space<vmem>>
        %dma_start3A_189 = tpu.memref_squeeze %dma_start3A_188 : memref<1x80xi32, #tpu.memory_space<vmem>> -> memref<80xi32, #tpu.memory_space<vmem>>
        %dma_start3A_190 = arith.constant 0 : i32
        %dma_start3A_191 = arith.constant 0 : i32
        %dma_start3A_192 = tpu.memref_slice %arg23[%dma_start3A_190, %dma_start3A_191] : memref<10240x128xf32, #tpu.memory_space<vmem_shared>> -> memref<10240x128xf32, #tpu.memory_space<vmem_shared>>
        tpu.enqueue_indirect_dma source(%arg13 : memref<80x128xf32, #tpu.memory_space<vmem>>) target(%dma_start3A_192 : memref<10240x128xf32, #tpu.memory_space<vmem_shared>>) offsets(%dma_start3A_189 : memref<80xi32, #tpu.memory_space<vmem>>) semaphore(%arg21 : memref<!tpu.dma_semaphore, #tpu.memory_space<semaphore_mem>>) {add = true}
        %lt3A_193 = arith.constant 3 : i32
        %lt3A_194 = arith.cmpi slt, %scan3A_130, %lt3A_193 : i32
        %convert_element_type3A_195 = arith.extui %lt3A_194 : i1 to i32
        %cond3A_196 = arith.constant 0 : i32
        %cond3A_197 = arith.cmpi ne, %convert_element_type3A_195, %cond3A_196 : i32
        scf.if %cond3A_197 {
          %dma_wait3A_202 = arith.constant 0 : i32
          %dma_wait3A_203 = arith.constant 0 : i32
          %dma_wait3A_204 = tpu.memref_slice %arg7[%dma_wait3A_202, %dma_wait3A_203] : memref<16x80xi32, #tpu.memory_space<vmem>> -> memref<1x80xi32, #tpu.memory_space<vmem>>
          %dma_wait3A_205 = tpu.memref_squeeze %dma_wait3A_204 : memref<1x80xi32, #tpu.memory_space<vmem>> -> memref<80xi32, #tpu.memory_space<vmem>>
          %dma_wait3A_206 = arith.constant 0 : i32
          %dma_wait3A_207 = arith.constant 0 : i32
          %dma_wait3A_208 = tpu.memref_slice %arg23[%dma_wait3A_206, %dma_wait3A_207] : memref<10240x128xf32, #tpu.memory_space<vmem_shared>> -> memref<10240x128xf32, #tpu.memory_space<vmem_shared>>
          tpu.wait_indirect_dma semaphore(%arg18 : memref<!tpu.dma_semaphore, #tpu.memory_space<semaphore_mem>>) src(%arg10 : memref<80x128xf32, #tpu.memory_space<vmem>>) dst(%dma_wait3A_208 : memref<10240x128xf32, #tpu.memory_space<vmem_shared>>)
          %add3A_209 = arith.constant 4 : i32
          %add3A_210 = arith.addi %mul3A_132, %add3A_209 : i32
          %add3A_211 = arith.constant 0 : i32
          %add3A_212 = arith.addi %add3A_210, %add3A_211 : i32
          %dma_start3A_213 = arith.constant 0 : i32
          %dma_start3A_214 = tpu.memref_slice %arg6[%add3A_212, %dma_start3A_213] : memref<16x80xi32, #tpu.memory_space<vmem>> -> memref<1x80xi32, #tpu.memory_space<vmem>>
          %dma_start3A_215 = tpu.memref_squeeze %dma_start3A_214 : memref<1x80xi32, #tpu.memory_space<vmem>> -> memref<80xi32, #tpu.memory_space<vmem>>
          %dma_start3A_216 = arith.constant 0 : i32
          %dma_start3A_217 = arith.constant 0 : i32
          %dma_start3A_218 = tpu.memref_slice %arg2[%dma_start3A_216, %dma_start3A_217] : memref<20000x128xf32, #tpu.memory_space<hbm>> -> memref<20000x128xf32, #tpu.memory_space<hbm>>
          tpu.enqueue_indirect_dma source(%dma_start3A_218 : memref<20000x128xf32, #tpu.memory_space<hbm>>) target(%arg10 : memref<80x128xf32, #tpu.memory_space<vmem>>) offsets(%dma_start3A_215 : memref<80xi32, #tpu.memory_space<vmem>>) semaphore(%arg14 : memref<!tpu.dma_semaphore, #tpu.memory_space<semaphore_mem>>)
          %dma_wait3A_219 = arith.constant 0 : i32
          %dma_wait3A_220 = arith.constant 0 : i32
          %dma_wait3A_221 = tpu.memref_slice %arg7[%dma_wait3A_219, %dma_wait3A_220] : memref<16x80xi32, #tpu.memory_space<vmem>> -> memref<1x80xi32, #tpu.memory_space<vmem>>
          %dma_wait3A_222 = tpu.memref_squeeze %dma_wait3A_221 : memref<1x80xi32, #tpu.memory_space<vmem>> -> memref<80xi32, #tpu.memory_space<vmem>>
          %dma_wait3A_223 = arith.constant 0 : i32
          %dma_wait3A_224 = arith.constant 0 : i32
          %dma_wait3A_225 = tpu.memref_slice %arg23[%dma_wait3A_223, %dma_wait3A_224] : memref<10240x128xf32, #tpu.memory_space<vmem_shared>> -> memref<10240x128xf32, #tpu.memory_space<vmem_shared>>
          tpu.wait_indirect_dma semaphore(%arg19 : memref<!tpu.dma_semaphore, #tpu.memory_space<semaphore_mem>>) src(%arg11 : memref<80x128xf32, #tpu.memory_space<vmem>>) dst(%dma_wait3A_225 : memref<10240x128xf32, #tpu.memory_space<vmem_shared>>)
          %add3A_226 = arith.constant 4 : i32
          %add3A_227 = arith.addi %mul3A_132, %add3A_226 : i32
          %add3A_228 = arith.constant 1 : i32
          %add3A_229 = arith.addi %add3A_227, %add3A_228 : i32
          %dma_start3A_230 = arith.constant 0 : i32
          %dma_start3A_231 = tpu.memref_slice %arg6[%add3A_229, %dma_start3A_230] : memref<16x80xi32, #tpu.memory_space<vmem>> -> memref<1x80xi32, #tpu.memory_space<vmem>>
          %dma_start3A_232 = tpu.memref_squeeze %dma_start3A_231 : memref<1x80xi32, #tpu.memory_space<vmem>> -> memref<80xi32, #tpu.memory_space<vmem>>
          %dma_start3A_233 = arith.constant 0 : i32
          %dma_start3A_234 = arith.constant 0 : i32
          %dma_start3A_235 = tpu.memref_slice %arg2[%dma_start3A_233, %dma_start3A_234] : memref<20000x128xf32, #tpu.memory_space<hbm>> -> memref<20000x128xf32, #tpu.memory_space<hbm>>
          tpu.enqueue_indirect_dma source(%dma_start3A_235 : memref<20000x128xf32, #tpu.memory_space<hbm>>) target(%arg11 : memref<80x128xf32, #tpu.memory_space<vmem>>) offsets(%dma_start3A_232 : memref<80xi32, #tpu.memory_space<vmem>>) semaphore(%arg15 : memref<!tpu.dma_semaphore, #tpu.memory_space<semaphore_mem>>)
          %dma_wait3A_236 = arith.constant 0 : i32
          %dma_wait3A_237 = arith.constant 0 : i32
          %dma_wait3A_238 = tpu.memref_slice %arg7[%dma_wait3A_236, %dma_wait3A_237] : memref<16x80xi32, #tpu.memory_space<vmem>> -> memref<1x80xi32, #tpu.memory_space<vmem>>
          %dma_wait3A_239 = tpu.memref_squeeze %dma_wait3A_238 : memref<1x80xi32, #tpu.memory_space<vmem>> -> memref<80xi32, #tpu.memory_space<vmem>>
          %dma_wait3A_240 = arith.constant 0 : i32
          %dma_wait3A_241 = arith.constant 0 : i32
          %dma_wait3A_242 = tpu.memref_slice %arg23[%dma_wait3A_240, %dma_wait3A_241] : memref<10240x128xf32, #tpu.memory_space<vmem_shared>> -> memref<10240x128xf32, #tpu.memory_space<vmem_shared>>
          tpu.wait_indirect_dma semaphore(%arg20 : memref<!tpu.dma_semaphore, #tpu.memory_space<semaphore_mem>>) src(%arg12 : memref<80x128xf32, #tpu.memory_space<vmem>>) dst(%dma_wait3A_242 : memref<10240x128xf32, #tpu.memory_space<vmem_shared>>)
          %add3A_243 = arith.constant 4 : i32
          %add3A_244 = arith.addi %mul3A_132, %add3A_243 : i32
          %add3A_245 = arith.constant 2 : i32
          %add3A_246 = arith.addi %add3A_244, %add3A_245 : i32
          %dma_start3A_247 = arith.constant 0 : i32
          %dma_start3A_248 = tpu.memref_slice %arg6[%add3A_246, %dma_start3A_247] : memref<16x80xi32, #tpu.memory_space<vmem>> -> memref<1x80xi32, #tpu.memory_space<vmem>>
          %dma_start3A_249 = tpu.memref_squeeze %dma_start3A_248 : memref<1x80xi32, #tpu.memory_space<vmem>> -> memref<80xi32, #tpu.memory_space<vmem>>
          %dma_start3A_250 = arith.constant 0 : i32
          %dma_start3A_251 = arith.constant 0 : i32
          %dma_start3A_252 = tpu.memref_slice %arg2[%dma_start3A_250, %dma_start3A_251] : memref<20000x128xf32, #tpu.memory_space<hbm>> -> memref<20000x128xf32, #tpu.memory_space<hbm>>
          tpu.enqueue_indirect_dma source(%dma_start3A_252 : memref<20000x128xf32, #tpu.memory_space<hbm>>) target(%arg12 : memref<80x128xf32, #tpu.memory_space<vmem>>) offsets(%dma_start3A_249 : memref<80xi32, #tpu.memory_space<vmem>>) semaphore(%arg16 : memref<!tpu.dma_semaphore, #tpu.memory_space<semaphore_mem>>)
          %dma_wait3A_253 = arith.constant 0 : i32
          %dma_wait3A_254 = arith.constant 0 : i32
          %dma_wait3A_255 = tpu.memref_slice %arg7[%dma_wait3A_253, %dma_wait3A_254] : memref<16x80xi32, #tpu.memory_space<vmem>> -> memref<1x80xi32, #tpu.memory_space<vmem>>
          %dma_wait3A_256 = tpu.memref_squeeze %dma_wait3A_255 : memref<1x80xi32, #tpu.memory_space<vmem>> -> memref<80xi32, #tpu.memory_space<vmem>>
          %dma_wait3A_257 = arith.constant 0 : i32
          %dma_wait3A_258 = arith.constant 0 : i32
          %dma_wait3A_259 = tpu.memref_slice %arg23[%dma_wait3A_257, %dma_wait3A_258] : memref<10240x128xf32, #tpu.memory_space<vmem_shared>> -> memref<10240x128xf32, #tpu.memory_space<vmem_shared>>
          tpu.wait_indirect_dma semaphore(%arg21 : memref<!tpu.dma_semaphore, #tpu.memory_space<semaphore_mem>>) src(%arg13 : memref<80x128xf32, #tpu.memory_space<vmem>>) dst(%dma_wait3A_259 : memref<10240x128xf32, #tpu.memory_space<vmem_shared>>)
          %add3A_260 = arith.constant 4 : i32
          %add3A_261 = arith.addi %mul3A_132, %add3A_260 : i32
          %add3A_262 = arith.constant 3 : i32
          %add3A_263 = arith.addi %add3A_261, %add3A_262 : i32
          %dma_start3A_264 = arith.constant 0 : i32
          %dma_start3A_265 = tpu.memref_slice %arg6[%add3A_263, %dma_start3A_264] : memref<16x80xi32, #tpu.memory_space<vmem>> -> memref<1x80xi32, #tpu.memory_space<vmem>>
          %dma_start3A_266 = tpu.memref_squeeze %dma_start3A_265 : memref<1x80xi32, #tpu.memory_space<vmem>> -> memref<80xi32, #tpu.memory_space<vmem>>
          %dma_start3A_267 = arith.constant 0 : i32
          %dma_start3A_268 = arith.constant 0 : i32
          %dma_start3A_269 = tpu.memref_slice %arg2[%dma_start3A_267, %dma_start3A_268] : memref<20000x128xf32, #tpu.memory_space<hbm>> -> memref<20000x128xf32, #tpu.memory_space<hbm>>
          tpu.enqueue_indirect_dma source(%dma_start3A_269 : memref<20000x128xf32, #tpu.memory_space<hbm>>) target(%arg13 : memref<80x128xf32, #tpu.memory_space<vmem>>) offsets(%dma_start3A_266 : memref<80xi32, #tpu.memory_space<vmem>>) semaphore(%arg17 : memref<!tpu.dma_semaphore, #tpu.memory_space<semaphore_mem>>)
        } else {
        }
        %ge3A = arith.constant 3 : i32
        %ge3A_198 = arith.cmpi sge, %scan3A_130, %ge3A : i32
        %convert_element_type3A_199 = arith.extui %ge3A_198 : i1 to i32
        %cond3A_200 = arith.constant 0 : i32
        %cond3A_201 = arith.cmpi ne, %convert_element_type3A_199, %cond3A_200 : i32
        scf.if %cond3A_201 {
          %dma_wait3A_202 = arith.constant 0 : i32
          %dma_wait3A_203 = arith.constant 0 : i32
          %dma_wait3A_204 = tpu.memref_slice %arg7[%dma_wait3A_202, %dma_wait3A_203] : memref<16x80xi32, #tpu.memory_space<vmem>> -> memref<1x80xi32, #tpu.memory_space<vmem>>
          %dma_wait3A_205 = tpu.memref_squeeze %dma_wait3A_204 : memref<1x80xi32, #tpu.memory_space<vmem>> -> memref<80xi32, #tpu.memory_space<vmem>>
          %dma_wait3A_206 = arith.constant 0 : i32
          %dma_wait3A_207 = arith.constant 0 : i32
          %dma_wait3A_208 = tpu.memref_slice %arg23[%dma_wait3A_206, %dma_wait3A_207] : memref<10240x128xf32, #tpu.memory_space<vmem_shared>> -> memref<10240x128xf32, #tpu.memory_space<vmem_shared>>
          tpu.wait_indirect_dma semaphore(%arg18 : memref<!tpu.dma_semaphore, #tpu.memory_space<semaphore_mem>>) src(%arg10 : memref<80x128xf32, #tpu.memory_space<vmem>>) dst(%dma_wait3A_208 : memref<10240x128xf32, #tpu.memory_space<vmem_shared>>)
          %dma_wait3A_209 = arith.constant 0 : i32
          %dma_wait3A_210 = arith.constant 0 : i32
          %dma_wait3A_211 = tpu.memref_slice %arg7[%dma_wait3A_209, %dma_wait3A_210] : memref<16x80xi32, #tpu.memory_space<vmem>> -> memref<1x80xi32, #tpu.memory_space<vmem>>
          %dma_wait3A_212 = tpu.memref_squeeze %dma_wait3A_211 : memref<1x80xi32, #tpu.memory_space<vmem>> -> memref<80xi32, #tpu.memory_space<vmem>>
          %dma_wait3A_213 = arith.constant 0 : i32
          %dma_wait3A_214 = arith.constant 0 : i32
          %dma_wait3A_215 = tpu.memref_slice %arg23[%dma_wait3A_213, %dma_wait3A_214] : memref<10240x128xf32, #tpu.memory_space<vmem_shared>> -> memref<10240x128xf32, #tpu.memory_space<vmem_shared>>
          tpu.wait_indirect_dma semaphore(%arg19 : memref<!tpu.dma_semaphore, #tpu.memory_space<semaphore_mem>>) src(%arg11 : memref<80x128xf32, #tpu.memory_space<vmem>>) dst(%dma_wait3A_215 : memref<10240x128xf32, #tpu.memory_space<vmem_shared>>)
          %dma_wait3A_216 = arith.constant 0 : i32
          %dma_wait3A_217 = arith.constant 0 : i32
          %dma_wait3A_218 = tpu.memref_slice %arg7[%dma_wait3A_216, %dma_wait3A_217] : memref<16x80xi32, #tpu.memory_space<vmem>> -> memref<1x80xi32, #tpu.memory_space<vmem>>
          %dma_wait3A_219 = tpu.memref_squeeze %dma_wait3A_218 : memref<1x80xi32, #tpu.memory_space<vmem>> -> memref<80xi32, #tpu.memory_space<vmem>>
          %dma_wait3A_220 = arith.constant 0 : i32
          %dma_wait3A_221 = arith.constant 0 : i32
          %dma_wait3A_222 = tpu.memref_slice %arg23[%dma_wait3A_220, %dma_wait3A_221] : memref<10240x128xf32, #tpu.memory_space<vmem_shared>> -> memref<10240x128xf32, #tpu.memory_space<vmem_shared>>
          tpu.wait_indirect_dma semaphore(%arg20 : memref<!tpu.dma_semaphore, #tpu.memory_space<semaphore_mem>>) src(%arg12 : memref<80x128xf32, #tpu.memory_space<vmem>>) dst(%dma_wait3A_222 : memref<10240x128xf32, #tpu.memory_space<vmem_shared>>)
          %dma_wait3A_223 = arith.constant 0 : i32
          %dma_wait3A_224 = arith.constant 0 : i32
          %dma_wait3A_225 = tpu.memref_slice %arg7[%dma_wait3A_223, %dma_wait3A_224] : memref<16x80xi32, #tpu.memory_space<vmem>> -> memref<1x80xi32, #tpu.memory_space<vmem>>
          %dma_wait3A_226 = tpu.memref_squeeze %dma_wait3A_225 : memref<1x80xi32, #tpu.memory_space<vmem>> -> memref<80xi32, #tpu.memory_space<vmem>>
          %dma_wait3A_227 = arith.constant 0 : i32
          %dma_wait3A_228 = arith.constant 0 : i32
          %dma_wait3A_229 = tpu.memref_slice %arg23[%dma_wait3A_227, %dma_wait3A_228] : memref<10240x128xf32, #tpu.memory_space<vmem_shared>> -> memref<10240x128xf32, #tpu.memory_space<vmem_shared>>
          tpu.wait_indirect_dma semaphore(%arg21 : memref<!tpu.dma_semaphore, #tpu.memory_space<semaphore_mem>>) src(%arg13 : memref<80x128xf32, #tpu.memory_space<vmem>>) dst(%dma_wait3A_229 : memref<10240x128xf32, #tpu.memory_space<vmem_shared>>)
        } else {
        }
      }
      %scan3A_70 = arith.constant 4 : i32
      %dma_wait3A = arith.constant 0 : i32
      %dma_wait3A_71 = arith.constant 0 : i32
      %dma_wait3A_72 = tpu.memref_slice %arg3[%add3A, %dma_wait3A, %dma_wait3A_71] : memref<32x256x80xi32, #tpu.memory_space<hbm>> -> memref<1x16x80xi32, #tpu.memory_space<hbm>>
      %dma_wait3A_73 = tpu.memref_squeeze %dma_wait3A_72 : memref<1x16x80xi32, #tpu.memory_space<hbm>> -> memref<16x80xi32, #tpu.memory_space<hbm>>
      %dma_wait3A_74 = arith.constant 0 : i32
      %dma_wait3A_75 = arith.constant 0 : i32
      %dma_wait3A_76 = tpu.memref_slice %arg3[%add3A, %dma_wait3A_74, %dma_wait3A_75] : memref<32x256x80xi32, #tpu.memory_space<hbm>> -> memref<1x16x80xi32, #tpu.memory_space<hbm>>
      %dma_wait3A_77 = tpu.memref_squeeze %dma_wait3A_76 : memref<1x16x80xi32, #tpu.memory_space<hbm>> -> memref<16x80xi32, #tpu.memory_space<hbm>>
      tpu.wait_dma2 semaphore(%arg22 : memref<!tpu.dma_semaphore, #tpu.memory_space<semaphore_mem>>) src(%dma_wait3A_77 : memref<16x80xi32, #tpu.memory_space<hbm>>) dst(%arg8 : memref<16x80xi32, #tpu.memory_space<vmem>>)
      %dma_wait3A_78 = arith.constant 0 : i32
      %dma_wait3A_79 = arith.constant 0 : i32
      %dma_wait3A_80 = tpu.memref_slice %arg4[%arg1, %dma_wait3A_78, %dma_wait3A_79] : memref<16x256x80xi32, #tpu.memory_space<hbm>> -> memref<1x16x80xi32, #tpu.memory_space<hbm>>
      %dma_wait3A_81 = tpu.memref_squeeze %dma_wait3A_80 : memref<1x16x80xi32, #tpu.memory_space<hbm>> -> memref<16x80xi32, #tpu.memory_space<hbm>>
      %dma_wait3A_82 = arith.constant 0 : i32
      %dma_wait3A_83 = arith.constant 0 : i32
      %dma_wait3A_84 = tpu.memref_slice %arg4[%arg1, %dma_wait3A_82, %dma_wait3A_83] : memref<16x256x80xi32, #tpu.memory_space<hbm>> -> memref<1x16x80xi32, #tpu.memory_space<hbm>>
      %dma_wait3A_85 = tpu.memref_squeeze %dma_wait3A_84 : memref<1x16x80xi32, #tpu.memory_space<hbm>> -> memref<16x80xi32, #tpu.memory_space<hbm>>
      tpu.wait_dma2 semaphore(%arg22 : memref<!tpu.dma_semaphore, #tpu.memory_space<semaphore_mem>>) src(%dma_wait3A_85 : memref<16x80xi32, #tpu.memory_space<hbm>>) dst(%arg9 : memref<16x80xi32, #tpu.memory_space<vmem>>)
      %lt3A_86 = arith.constant 7 : i32
      %lt3A_87 = arith.cmpi slt, %scan3A_15, %lt3A_86 : i32
      %convert_element_type3A_88 = arith.extui %lt3A_87 : i1 to i32
      %cond3A_89 = arith.constant 0 : i32
      %cond3A_90 = arith.cmpi ne, %convert_element_type3A_88, %cond3A_89 : i32
      scf.if %cond3A_90 {
        %add3A_130 = arith.constant 2 : i32
        %add3A_131 = arith.addi %mul3A_17, %add3A_130 : i32
        %mul3A_132 = arith.constant 16 : i32
        %mul3A_133 = arith.muli %add3A_131, %mul3A_132 : i32
        %dma_start3A_134 = arith.constant 0 : i32
        %dma_start3A_135 = tpu.memref_slice %arg3[%add3A, %mul3A_133, %dma_start3A_134] : memref<32x256x80xi32, #tpu.memory_space<hbm>> -> memref<1x16x80xi32, #tpu.memory_space<hbm>>
        %dma_start3A_136 = tpu.memref_squeeze %dma_start3A_135 : memref<1x16x80xi32, #tpu.memory_space<hbm>> -> memref<16x80xi32, #tpu.memory_space<hbm>>
        %dma_start3A_137 = arith.constant 0 : i32
        %dma_start3A_138 = tpu.memref_slice %arg3[%add3A, %mul3A_133, %dma_start3A_137] : memref<32x256x80xi32, #tpu.memory_space<hbm>> -> memref<1x16x80xi32, #tpu.memory_space<hbm>>
        %dma_start3A_139 = tpu.memref_squeeze %dma_start3A_138 : memref<1x16x80xi32, #tpu.memory_space<hbm>> -> memref<16x80xi32, #tpu.memory_space<hbm>>
        tpu.enqueue_dma source(%dma_start3A_139 : memref<16x80xi32, #tpu.memory_space<hbm>>) target(%arg6 : memref<16x80xi32, #tpu.memory_space<vmem>>) target_semaphore(%arg22 : memref<!tpu.dma_semaphore, #tpu.memory_space<semaphore_mem>>)
        %add3A_140 = arith.constant 2 : i32
        %add3A_141 = arith.addi %mul3A_17, %add3A_140 : i32
        %mul3A_142 = arith.constant 16 : i32
        %mul3A_143 = arith.muli %add3A_141, %mul3A_142 : i32
        %dma_start3A_144 = arith.constant 0 : i32
        %dma_start3A_145 = tpu.memref_slice %arg4[%arg1, %mul3A_143, %dma_start3A_144] : memref<16x256x80xi32, #tpu.memory_space<hbm>> -> memref<1x16x80xi32, #tpu.memory_space<hbm>>
        %dma_start3A_146 = tpu.memref_squeeze %dma_start3A_145 : memref<1x16x80xi32, #tpu.memory_space<hbm>> -> memref<16x80xi32, #tpu.memory_space<hbm>>
        %dma_start3A_147 = arith.constant 0 : i32
        %dma_start3A_148 = tpu.memref_slice %arg4[%arg1, %mul3A_143, %dma_start3A_147] : memref<16x256x80xi32, #tpu.memory_space<hbm>> -> memref<1x16x80xi32, #tpu.memory_space<hbm>>
        %dma_start3A_149 = tpu.memref_squeeze %dma_start3A_148 : memref<1x16x80xi32, #tpu.memory_space<hbm>> -> memref<16x80xi32, #tpu.memory_space<hbm>>
        tpu.enqueue_dma source(%dma_start3A_149 : memref<16x80xi32, #tpu.memory_space<hbm>>) target(%arg7 : memref<16x80xi32, #tpu.memory_space<vmem>>) target_semaphore(%arg22 : memref<!tpu.dma_semaphore, #tpu.memory_space<semaphore_mem>>)
      } else {
      }
      %dma_start3A_91 = arith.constant 0 : i32
      %dma_start3A_92 = arith.constant 0 : i32
      %dma_start3A_93 = tpu.memref_slice %arg8[%dma_start3A_91, %dma_start3A_92] : memref<16x80xi32, #tpu.memory_space<vmem>> -> memref<1x80xi32, #tpu.memory_space<vmem>>
      %dma_start3A_94 = tpu.memref_squeeze %dma_start3A_93 : memref<1x80xi32, #tpu.memory_space<vmem>> -> memref<80xi32, #tpu.memory_space<vmem>>
      %dma_start3A_95 = arith.constant 0 : i32
      %dma_start3A_96 = arith.constant 0 : i32
      %dma_start3A_97 = tpu.memref_slice %arg2[%dma_start3A_95, %dma_start3A_96] : memref<20000x128xf32, #tpu.memory_space<hbm>> -> memref<20000x128xf32, #tpu.memory_space<hbm>>
      tpu.enqueue_indirect_dma source(%dma_start3A_97 : memref<20000x128xf32, #tpu.memory_space<hbm>>) target(%arg10 : memref<80x128xf32, #tpu.memory_space<vmem>>) offsets(%dma_start3A_94 : memref<80xi32, #tpu.memory_space<vmem>>) semaphore(%arg14 : memref<!tpu.dma_semaphore, #tpu.memory_space<semaphore_mem>>)
      %dma_start3A_98 = arith.constant 1 : i32
      %dma_start3A_99 = arith.constant 0 : i32
      %dma_start3A_100 = tpu.memref_slice %arg8[%dma_start3A_98, %dma_start3A_99] : memref<16x80xi32, #tpu.memory_space<vmem>> -> memref<1x80xi32, #tpu.memory_space<vmem>>
      %dma_start3A_101 = tpu.memref_squeeze %dma_start3A_100 : memref<1x80xi32, #tpu.memory_space<vmem>> -> memref<80xi32, #tpu.memory_space<vmem>>
      %dma_start3A_102 = arith.constant 0 : i32
      %dma_start3A_103 = arith.constant 0 : i32
      %dma_start3A_104 = tpu.memref_slice %arg2[%dma_start3A_102, %dma_start3A_103] : memref<20000x128xf32, #tpu.memory_space<hbm>> -> memref<20000x128xf32, #tpu.memory_space<hbm>>
      tpu.enqueue_indirect_dma source(%dma_start3A_104 : memref<20000x128xf32, #tpu.memory_space<hbm>>) target(%arg11 : memref<80x128xf32, #tpu.memory_space<vmem>>) offsets(%dma_start3A_101 : memref<80xi32, #tpu.memory_space<vmem>>) semaphore(%arg15 : memref<!tpu.dma_semaphore, #tpu.memory_space<semaphore_mem>>)
      %dma_start3A_105 = arith.constant 2 : i32
      %dma_start3A_106 = arith.constant 0 : i32
      %dma_start3A_107 = tpu.memref_slice %arg8[%dma_start3A_105, %dma_start3A_106] : memref<16x80xi32, #tpu.memory_space<vmem>> -> memref<1x80xi32, #tpu.memory_space<vmem>>
      %dma_start3A_108 = tpu.memref_squeeze %dma_start3A_107 : memref<1x80xi32, #tpu.memory_space<vmem>> -> memref<80xi32, #tpu.memory_space<vmem>>
      %dma_start3A_109 = arith.constant 0 : i32
      %dma_start3A_110 = arith.constant 0 : i32
      %dma_start3A_111 = tpu.memref_slice %arg2[%dma_start3A_109, %dma_start3A_110] : memref<20000x128xf32, #tpu.memory_space<hbm>> -> memref<20000x128xf32, #tpu.memory_space<hbm>>
      tpu.enqueue_indirect_dma source(%dma_start3A_111 : memref<20000x128xf32, #tpu.memory_space<hbm>>) target(%arg12 : memref<80x128xf32, #tpu.memory_space<vmem>>) offsets(%dma_start3A_108 : memref<80xi32, #tpu.memory_space<vmem>>) semaphore(%arg16 : memref<!tpu.dma_semaphore, #tpu.memory_space<semaphore_mem>>)
      %dma_start3A_112 = arith.constant 3 : i32
      %dma_start3A_113 = arith.constant 0 : i32
      %dma_start3A_114 = tpu.memref_slice %arg8[%dma_start3A_112, %dma_start3A_113] : memref<16x80xi32, #tpu.memory_space<vmem>> -> memref<1x80xi32, #tpu.memory_space<vmem>>
      %dma_start3A_115 = tpu.memref_squeeze %dma_start3A_114 : memref<1x80xi32, #tpu.memory_space<vmem>> -> memref<80xi32, #tpu.memory_space<vmem>>
      %dma_start3A_116 = arith.constant 0 : i32
      %dma_start3A_117 = arith.constant 0 : i32
      %dma_start3A_118 = tpu.memref_slice %arg2[%dma_start3A_116, %dma_start3A_117] : memref<20000x128xf32, #tpu.memory_space<hbm>> -> memref<20000x128xf32, #tpu.memory_space<hbm>>
      tpu.enqueue_indirect_dma source(%dma_start3A_118 : memref<20000x128xf32, #tpu.memory_space<hbm>>) target(%arg13 : memref<80x128xf32, #tpu.memory_space<vmem>>) offsets(%dma_start3A_115 : memref<80xi32, #tpu.memory_space<vmem>>) semaphore(%arg17 : memref<!tpu.dma_semaphore, #tpu.memory_space<semaphore_mem>>)
      %scan3A_119 = arith.constant 0 : i32
      %scan3A_120 = arith.constant 0 : i32
      %scan3A_121 = arith.constant 4 : i32
      %scan3A_122 = arith.addi %scan3A_120, %scan3A_121 : i32
      %scan3A_123 = arith.constant 1 : i32
      scf.for %scan3A_130 = %scan3A_120 to %scan3A_122 step %scan3A_123  : i32 {
        %mul3A_131 = arith.constant 4 : i32
        %mul3A_132 = arith.muli %mul3A_131, %scan3A_130 : i32
        %dma_wait3A_133 = arith.constant 0 : i32
        %dma_wait3A_134 = arith.constant 0 : i32
        %dma_wait3A_135 = tpu.memref_slice %arg8[%dma_wait3A_133, %dma_wait3A_134] : memref<16x80xi32, #tpu.memory_space<vmem>> -> memref<1x80xi32, #tpu.memory_space<vmem>>
        %dma_wait3A_136 = tpu.memref_squeeze %dma_wait3A_135 : memref<1x80xi32, #tpu.memory_space<vmem>> -> memref<80xi32, #tpu.memory_space<vmem>>
        %dma_wait3A_137 = arith.constant 0 : i32
        %dma_wait3A_138 = arith.constant 0 : i32
        %dma_wait3A_139 = tpu.memref_slice %arg2[%dma_wait3A_137, %dma_wait3A_138] : memref<20000x128xf32, #tpu.memory_space<hbm>> -> memref<20000x128xf32, #tpu.memory_space<hbm>>
        tpu.wait_indirect_dma semaphore(%arg14 : memref<!tpu.dma_semaphore, #tpu.memory_space<semaphore_mem>>) src(%dma_wait3A_139 : memref<20000x128xf32, #tpu.memory_space<hbm>>) dst(%arg10 : memref<80x128xf32, #tpu.memory_space<vmem>>)
        %add3A_140 = arith.constant 0 : i32
        %add3A_141 = arith.addi %mul3A_132, %add3A_140 : i32
        %dma_start3A_142 = arith.constant 0 : i32
        %dma_start3A_143 = tpu.memref_slice %arg9[%add3A_141, %dma_start3A_142] : memref<16x80xi32, #tpu.memory_space<vmem>> -> memref<1x80xi32, #tpu.memory_space<vmem>>
        %dma_start3A_144 = tpu.memref_squeeze %dma_start3A_143 : memref<1x80xi32, #tpu.memory_space<vmem>> -> memref<80xi32, #tpu.memory_space<vmem>>
        %dma_start3A_145 = arith.constant 0 : i32
        %dma_start3A_146 = arith.constant 0 : i32
        %dma_start3A_147 = tpu.memref_slice %arg23[%dma_start3A_145, %dma_start3A_146] : memref<10240x128xf32, #tpu.memory_space<vmem_shared>> -> memref<10240x128xf32, #tpu.memory_space<vmem_shared>>
        tpu.enqueue_indirect_dma source(%arg10 : memref<80x128xf32, #tpu.memory_space<vmem>>) target(%dma_start3A_147 : memref<10240x128xf32, #tpu.memory_space<vmem_shared>>) offsets(%dma_start3A_144 : memref<80xi32, #tpu.memory_space<vmem>>) semaphore(%arg18 : memref<!tpu.dma_semaphore, #tpu.memory_space<semaphore_mem>>) {add = true}
        %dma_wait3A_148 = arith.constant 0 : i32
        %dma_wait3A_149 = arith.constant 0 : i32
        %dma_wait3A_150 = tpu.memref_slice %arg8[%dma_wait3A_148, %dma_wait3A_149] : memref<16x80xi32, #tpu.memory_space<vmem>> -> memref<1x80xi32, #tpu.memory_space<vmem>>
        %dma_wait3A_151 = tpu.memref_squeeze %dma_wait3A_150 : memref<1x80xi32, #tpu.memory_space<vmem>> -> memref<80xi32, #tpu.memory_space<vmem>>
        %dma_wait3A_152 = arith.constant 0 : i32
        %dma_wait3A_153 = arith.constant 0 : i32
        %dma_wait3A_154 = tpu.memref_slice %arg2[%dma_wait3A_152, %dma_wait3A_153] : memref<20000x128xf32, #tpu.memory_space<hbm>> -> memref<20000x128xf32, #tpu.memory_space<hbm>>
        tpu.wait_indirect_dma semaphore(%arg15 : memref<!tpu.dma_semaphore, #tpu.memory_space<semaphore_mem>>) src(%dma_wait3A_154 : memref<20000x128xf32, #tpu.memory_space<hbm>>) dst(%arg11 : memref<80x128xf32, #tpu.memory_space<vmem>>)
        %add3A_155 = arith.constant 1 : i32
        %add3A_156 = arith.addi %mul3A_132, %add3A_155 : i32
        %dma_start3A_157 = arith.constant 0 : i32
        %dma_start3A_158 = tpu.memref_slice %arg9[%add3A_156, %dma_start3A_157] : memref<16x80xi32, #tpu.memory_space<vmem>> -> memref<1x80xi32, #tpu.memory_space<vmem>>
        %dma_start3A_159 = tpu.memref_squeeze %dma_start3A_158 : memref<1x80xi32, #tpu.memory_space<vmem>> -> memref<80xi32, #tpu.memory_space<vmem>>
        %dma_start3A_160 = arith.constant 0 : i32
        %dma_start3A_161 = arith.constant 0 : i32
        %dma_start3A_162 = tpu.memref_slice %arg23[%dma_start3A_160, %dma_start3A_161] : memref<10240x128xf32, #tpu.memory_space<vmem_shared>> -> memref<10240x128xf32, #tpu.memory_space<vmem_shared>>
        tpu.enqueue_indirect_dma source(%arg11 : memref<80x128xf32, #tpu.memory_space<vmem>>) target(%dma_start3A_162 : memref<10240x128xf32, #tpu.memory_space<vmem_shared>>) offsets(%dma_start3A_159 : memref<80xi32, #tpu.memory_space<vmem>>) semaphore(%arg19 : memref<!tpu.dma_semaphore, #tpu.memory_space<semaphore_mem>>) {add = true}
        %dma_wait3A_163 = arith.constant 0 : i32
        %dma_wait3A_164 = arith.constant 0 : i32
        %dma_wait3A_165 = tpu.memref_slice %arg8[%dma_wait3A_163, %dma_wait3A_164] : memref<16x80xi32, #tpu.memory_space<vmem>> -> memref<1x80xi32, #tpu.memory_space<vmem>>
        %dma_wait3A_166 = tpu.memref_squeeze %dma_wait3A_165 : memref<1x80xi32, #tpu.memory_space<vmem>> -> memref<80xi32, #tpu.memory_space<vmem>>
        %dma_wait3A_167 = arith.constant 0 : i32
        %dma_wait3A_168 = arith.constant 0 : i32
        %dma_wait3A_169 = tpu.memref_slice %arg2[%dma_wait3A_167, %dma_wait3A_168] : memref<20000x128xf32, #tpu.memory_space<hbm>> -> memref<20000x128xf32, #tpu.memory_space<hbm>>
        tpu.wait_indirect_dma semaphore(%arg16 : memref<!tpu.dma_semaphore, #tpu.memory_space<semaphore_mem>>) src(%dma_wait3A_169 : memref<20000x128xf32, #tpu.memory_space<hbm>>) dst(%arg12 : memref<80x128xf32, #tpu.memory_space<vmem>>)
        %add3A_170 = arith.constant 2 : i32
        %add3A_171 = arith.addi %mul3A_132, %add3A_170 : i32
        %dma_start3A_172 = arith.constant 0 : i32
        %dma_start3A_173 = tpu.memref_slice %arg9[%add3A_171, %dma_start3A_172] : memref<16x80xi32, #tpu.memory_space<vmem>> -> memref<1x80xi32, #tpu.memory_space<vmem>>
        %dma_start3A_174 = tpu.memref_squeeze %dma_start3A_173 : memref<1x80xi32, #tpu.memory_space<vmem>> -> memref<80xi32, #tpu.memory_space<vmem>>
        %dma_start3A_175 = arith.constant 0 : i32
        %dma_start3A_176 = arith.constant 0 : i32
        %dma_start3A_177 = tpu.memref_slice %arg23[%dma_start3A_175, %dma_start3A_176] : memref<10240x128xf32, #tpu.memory_space<vmem_shared>> -> memref<10240x128xf32, #tpu.memory_space<vmem_shared>>
        tpu.enqueue_indirect_dma source(%arg12 : memref<80x128xf32, #tpu.memory_space<vmem>>) target(%dma_start3A_177 : memref<10240x128xf32, #tpu.memory_space<vmem_shared>>) offsets(%dma_start3A_174 : memref<80xi32, #tpu.memory_space<vmem>>) semaphore(%arg20 : memref<!tpu.dma_semaphore, #tpu.memory_space<semaphore_mem>>) {add = true}
        %dma_wait3A_178 = arith.constant 0 : i32
        %dma_wait3A_179 = arith.constant 0 : i32
        %dma_wait3A_180 = tpu.memref_slice %arg8[%dma_wait3A_178, %dma_wait3A_179] : memref<16x80xi32, #tpu.memory_space<vmem>> -> memref<1x80xi32, #tpu.memory_space<vmem>>
        %dma_wait3A_181 = tpu.memref_squeeze %dma_wait3A_180 : memref<1x80xi32, #tpu.memory_space<vmem>> -> memref<80xi32, #tpu.memory_space<vmem>>
        %dma_wait3A_182 = arith.constant 0 : i32
        %dma_wait3A_183 = arith.constant 0 : i32
        %dma_wait3A_184 = tpu.memref_slice %arg2[%dma_wait3A_182, %dma_wait3A_183] : memref<20000x128xf32, #tpu.memory_space<hbm>> -> memref<20000x128xf32, #tpu.memory_space<hbm>>
        tpu.wait_indirect_dma semaphore(%arg17 : memref<!tpu.dma_semaphore, #tpu.memory_space<semaphore_mem>>) src(%dma_wait3A_184 : memref<20000x128xf32, #tpu.memory_space<hbm>>) dst(%arg13 : memref<80x128xf32, #tpu.memory_space<vmem>>)
        %add3A_185 = arith.constant 3 : i32
        %add3A_186 = arith.addi %mul3A_132, %add3A_185 : i32
        %dma_start3A_187 = arith.constant 0 : i32
        %dma_start3A_188 = tpu.memref_slice %arg9[%add3A_186, %dma_start3A_187] : memref<16x80xi32, #tpu.memory_space<vmem>> -> memref<1x80xi32, #tpu.memory_space<vmem>>
        %dma_start3A_189 = tpu.memref_squeeze %dma_start3A_188 : memref<1x80xi32, #tpu.memory_space<vmem>> -> memref<80xi32, #tpu.memory_space<vmem>>
        %dma_start3A_190 = arith.constant 0 : i32
        %dma_start3A_191 = arith.constant 0 : i32
        %dma_start3A_192 = tpu.memref_slice %arg23[%dma_start3A_190, %dma_start3A_191] : memref<10240x128xf32, #tpu.memory_space<vmem_shared>> -> memref<10240x128xf32, #tpu.memory_space<vmem_shared>>
        tpu.enqueue_indirect_dma source(%arg13 : memref<80x128xf32, #tpu.memory_space<vmem>>) target(%dma_start3A_192 : memref<10240x128xf32, #tpu.memory_space<vmem_shared>>) offsets(%dma_start3A_189 : memref<80xi32, #tpu.memory_space<vmem>>) semaphore(%arg21 : memref<!tpu.dma_semaphore, #tpu.memory_space<semaphore_mem>>) {add = true}
        %lt3A_193 = arith.constant 3 : i32
        %lt3A_194 = arith.cmpi slt, %scan3A_130, %lt3A_193 : i32
        %convert_element_type3A_195 = arith.extui %lt3A_194 : i1 to i32
        %cond3A_196 = arith.constant 0 : i32
        %cond3A_197 = arith.cmpi ne, %convert_element_type3A_195, %cond3A_196 : i32
        scf.if %cond3A_197 {
          %dma_wait3A_202 = arith.constant 0 : i32
          %dma_wait3A_203 = arith.constant 0 : i32
          %dma_wait3A_204 = tpu.memref_slice %arg9[%dma_wait3A_202, %dma_wait3A_203] : memref<16x80xi32, #tpu.memory_space<vmem>> -> memref<1x80xi32, #tpu.memory_space<vmem>>
          %dma_wait3A_205 = tpu.memref_squeeze %dma_wait3A_204 : memref<1x80xi32, #tpu.memory_space<vmem>> -> memref<80xi32, #tpu.memory_space<vmem>>
          %dma_wait3A_206 = arith.constant 0 : i32
          %dma_wait3A_207 = arith.constant 0 : i32
          %dma_wait3A_208 = tpu.memref_slice %arg23[%dma_wait3A_206, %dma_wait3A_207] : memref<10240x128xf32, #tpu.memory_space<vmem_shared>> -> memref<10240x128xf32, #tpu.memory_space<vmem_shared>>
          tpu.wait_indirect_dma semaphore(%arg18 : memref<!tpu.dma_semaphore, #tpu.memory_space<semaphore_mem>>) src(%arg10 : memref<80x128xf32, #tpu.memory_space<vmem>>) dst(%dma_wait3A_208 : memref<10240x128xf32, #tpu.memory_space<vmem_shared>>)
          %add3A_209 = arith.constant 4 : i32
          %add3A_210 = arith.addi %mul3A_132, %add3A_209 : i32
          %add3A_211 = arith.constant 0 : i32
          %add3A_212 = arith.addi %add3A_210, %add3A_211 : i32
          %dma_start3A_213 = arith.constant 0 : i32
          %dma_start3A_214 = tpu.memref_slice %arg8[%add3A_212, %dma_start3A_213] : memref<16x80xi32, #tpu.memory_space<vmem>> -> memref<1x80xi32, #tpu.memory_space<vmem>>
          %dma_start3A_215 = tpu.memref_squeeze %dma_start3A_214 : memref<1x80xi32, #tpu.memory_space<vmem>> -> memref<80xi32, #tpu.memory_space<vmem>>
          %dma_start3A_216 = arith.constant 0 : i32
          %dma_start3A_217 = arith.constant 0 : i32
          %dma_start3A_218 = tpu.memref_slice %arg2[%dma_start3A_216, %dma_start3A_217] : memref<20000x128xf32, #tpu.memory_space<hbm>> -> memref<20000x128xf32, #tpu.memory_space<hbm>>
          tpu.enqueue_indirect_dma source(%dma_start3A_218 : memref<20000x128xf32, #tpu.memory_space<hbm>>) target(%arg10 : memref<80x128xf32, #tpu.memory_space<vmem>>) offsets(%dma_start3A_215 : memref<80xi32, #tpu.memory_space<vmem>>) semaphore(%arg14 : memref<!tpu.dma_semaphore, #tpu.memory_space<semaphore_mem>>)
          %dma_wait3A_219 = arith.constant 0 : i32
          %dma_wait3A_220 = arith.constant 0 : i32
          %dma_wait3A_221 = tpu.memref_slice %arg9[%dma_wait3A_219, %dma_wait3A_220] : memref<16x80xi32, #tpu.memory_space<vmem>> -> memref<1x80xi32, #tpu.memory_space<vmem>>
          %dma_wait3A_222 = tpu.memref_squeeze %dma_wait3A_221 : memref<1x80xi32, #tpu.memory_space<vmem>> -> memref<80xi32, #tpu.memory_space<vmem>>
          %dma_wait3A_223 = arith.constant 0 : i32
          %dma_wait3A_224 = arith.constant 0 : i32
          %dma_wait3A_225 = tpu.memref_slice %arg23[%dma_wait3A_223, %dma_wait3A_224] : memref<10240x128xf32, #tpu.memory_space<vmem_shared>> -> memref<10240x128xf32, #tpu.memory_space<vmem_shared>>
          tpu.wait_indirect_dma semaphore(%arg19 : memref<!tpu.dma_semaphore, #tpu.memory_space<semaphore_mem>>) src(%arg11 : memref<80x128xf32, #tpu.memory_space<vmem>>) dst(%dma_wait3A_225 : memref<10240x128xf32, #tpu.memory_space<vmem_shared>>)
          %add3A_226 = arith.constant 4 : i32
          %add3A_227 = arith.addi %mul3A_132, %add3A_226 : i32
          %add3A_228 = arith.constant 1 : i32
          %add3A_229 = arith.addi %add3A_227, %add3A_228 : i32
          %dma_start3A_230 = arith.constant 0 : i32
          %dma_start3A_231 = tpu.memref_slice %arg8[%add3A_229, %dma_start3A_230] : memref<16x80xi32, #tpu.memory_space<vmem>> -> memref<1x80xi32, #tpu.memory_space<vmem>>
          %dma_start3A_232 = tpu.memref_squeeze %dma_start3A_231 : memref<1x80xi32, #tpu.memory_space<vmem>> -> memref<80xi32, #tpu.memory_space<vmem>>
          %dma_start3A_233 = arith.constant 0 : i32
          %dma_start3A_234 = arith.constant 0 : i32
          %dma_start3A_235 = tpu.memref_slice %arg2[%dma_start3A_233, %dma_start3A_234] : memref<20000x128xf32, #tpu.memory_space<hbm>> -> memref<20000x128xf32, #tpu.memory_space<hbm>>
          tpu.enqueue_indirect_dma source(%dma_start3A_235 : memref<20000x128xf32, #tpu.memory_space<hbm>>) target(%arg11 : memref<80x128xf32, #tpu.memory_space<vmem>>) offsets(%dma_start3A_232 : memref<80xi32, #tpu.memory_space<vmem>>) semaphore(%arg15 : memref<!tpu.dma_semaphore, #tpu.memory_space<semaphore_mem>>)
          %dma_wait3A_236 = arith.constant 0 : i32
          %dma_wait3A_237 = arith.constant 0 : i32
          %dma_wait3A_238 = tpu.memref_slice %arg9[%dma_wait3A_236, %dma_wait3A_237] : memref<16x80xi32, #tpu.memory_space<vmem>> -> memref<1x80xi32, #tpu.memory_space<vmem>>
          %dma_wait3A_239 = tpu.memref_squeeze %dma_wait3A_238 : memref<1x80xi32, #tpu.memory_space<vmem>> -> memref<80xi32, #tpu.memory_space<vmem>>
          %dma_wait3A_240 = arith.constant 0 : i32
          %dma_wait3A_241 = arith.constant 0 : i32
          %dma_wait3A_242 = tpu.memref_slice %arg23[%dma_wait3A_240, %dma_wait3A_241] : memref<10240x128xf32, #tpu.memory_space<vmem_shared>> -> memref<10240x128xf32, #tpu.memory_space<vmem_shared>>
          tpu.wait_indirect_dma semaphore(%arg20 : memref<!tpu.dma_semaphore, #tpu.memory_space<semaphore_mem>>) src(%arg12 : memref<80x128xf32, #tpu.memory_space<vmem>>) dst(%dma_wait3A_242 : memref<10240x128xf32, #tpu.memory_space<vmem_shared>>)
          %add3A_243 = arith.constant 4 : i32
          %add3A_244 = arith.addi %mul3A_132, %add3A_243 : i32
          %add3A_245 = arith.constant 2 : i32
          %add3A_246 = arith.addi %add3A_244, %add3A_245 : i32
          %dma_start3A_247 = arith.constant 0 : i32
          %dma_start3A_248 = tpu.memref_slice %arg8[%add3A_246, %dma_start3A_247] : memref<16x80xi32, #tpu.memory_space<vmem>> -> memref<1x80xi32, #tpu.memory_space<vmem>>
          %dma_start3A_249 = tpu.memref_squeeze %dma_start3A_248 : memref<1x80xi32, #tpu.memory_space<vmem>> -> memref<80xi32, #tpu.memory_space<vmem>>
          %dma_start3A_250 = arith.constant 0 : i32
          %dma_start3A_251 = arith.constant 0 : i32
          %dma_start3A_252 = tpu.memref_slice %arg2[%dma_start3A_250, %dma_start3A_251] : memref<20000x128xf32, #tpu.memory_space<hbm>> -> memref<20000x128xf32, #tpu.memory_space<hbm>>
          tpu.enqueue_indirect_dma source(%dma_start3A_252 : memref<20000x128xf32, #tpu.memory_space<hbm>>) target(%arg12 : memref<80x128xf32, #tpu.memory_space<vmem>>) offsets(%dma_start3A_249 : memref<80xi32, #tpu.memory_space<vmem>>) semaphore(%arg16 : memref<!tpu.dma_semaphore, #tpu.memory_space<semaphore_mem>>)
          %dma_wait3A_253 = arith.constant 0 : i32
          %dma_wait3A_254 = arith.constant 0 : i32
          %dma_wait3A_255 = tpu.memref_slice %arg9[%dma_wait3A_253, %dma_wait3A_254] : memref<16x80xi32, #tpu.memory_space<vmem>> -> memref<1x80xi32, #tpu.memory_space<vmem>>
          %dma_wait3A_256 = tpu.memref_squeeze %dma_wait3A_255 : memref<1x80xi32, #tpu.memory_space<vmem>> -> memref<80xi32, #tpu.memory_space<vmem>>
          %dma_wait3A_257 = arith.constant 0 : i32
          %dma_wait3A_258 = arith.constant 0 : i32
          %dma_wait3A_259 = tpu.memref_slice %arg23[%dma_wait3A_257, %dma_wait3A_258] : memref<10240x128xf32, #tpu.memory_space<vmem_shared>> -> memref<10240x128xf32, #tpu.memory_space<vmem_shared>>
          tpu.wait_indirect_dma semaphore(%arg21 : memref<!tpu.dma_semaphore, #tpu.memory_space<semaphore_mem>>) src(%arg13 : memref<80x128xf32, #tpu.memory_space<vmem>>) dst(%dma_wait3A_259 : memref<10240x128xf32, #tpu.memory_space<vmem_shared>>)
          %add3A_260 = arith.constant 4 : i32
          %add3A_261 = arith.addi %mul3A_132, %add3A_260 : i32
          %add3A_262 = arith.constant 3 : i32
          %add3A_263 = arith.addi %add3A_261, %add3A_262 : i32
          %dma_start3A_264 = arith.constant 0 : i32
          %dma_start3A_265 = tpu.memref_slice %arg8[%add3A_263, %dma_start3A_264] : memref<16x80xi32, #tpu.memory_space<vmem>> -> memref<1x80xi32, #tpu.memory_space<vmem>>
          %dma_start3A_266 = tpu.memref_squeeze %dma_start3A_265 : memref<1x80xi32, #tpu.memory_space<vmem>> -> memref<80xi32, #tpu.memory_space<vmem>>
          %dma_start3A_267 = arith.constant 0 : i32
          %dma_start3A_268 = arith.constant 0 : i32
          %dma_start3A_269 = tpu.memref_slice %arg2[%dma_start3A_267, %dma_start3A_268] : memref<20000x128xf32, #tpu.memory_space<hbm>> -> memref<20000x128xf32, #tpu.memory_space<hbm>>
          tpu.enqueue_indirect_dma source(%dma_start3A_269 : memref<20000x128xf32, #tpu.memory_space<hbm>>) target(%arg13 : memref<80x128xf32, #tpu.memory_space<vmem>>) offsets(%dma_start3A_266 : memref<80xi32, #tpu.memory_space<vmem>>) semaphore(%arg17 : memref<!tpu.dma_semaphore, #tpu.memory_space<semaphore_mem>>)
        } else {
        }
        %ge3A = arith.constant 3 : i32
        %ge3A_198 = arith.cmpi sge, %scan3A_130, %ge3A : i32
        %convert_element_type3A_199 = arith.extui %ge3A_198 : i1 to i32
        %cond3A_200 = arith.constant 0 : i32
        %cond3A_201 = arith.cmpi ne, %convert_element_type3A_199, %cond3A_200 : i32
        scf.if %cond3A_201 {
          %dma_wait3A_202 = arith.constant 0 : i32
          %dma_wait3A_203 = arith.constant 0 : i32
          %dma_wait3A_204 = tpu.memref_slice %arg9[%dma_wait3A_202, %dma_wait3A_203] : memref<16x80xi32, #tpu.memory_space<vmem>> -> memref<1x80xi32, #tpu.memory_space<vmem>>
          %dma_wait3A_205 = tpu.memref_squeeze %dma_wait3A_204 : memref<1x80xi32, #tpu.memory_space<vmem>> -> memref<80xi32, #tpu.memory_space<vmem>>
          %dma_wait3A_206 = arith.constant 0 : i32
          %dma_wait3A_207 = arith.constant 0 : i32
          %dma_wait3A_208 = tpu.memref_slice %arg23[%dma_wait3A_206, %dma_wait3A_207] : memref<10240x128xf32, #tpu.memory_space<vmem_shared>> -> memref<10240x128xf32, #tpu.memory_space<vmem_shared>>
          tpu.wait_indirect_dma semaphore(%arg18 : memref<!tpu.dma_semaphore, #tpu.memory_space<semaphore_mem>>) src(%arg10 : memref<80x128xf32, #tpu.memory_space<vmem>>) dst(%dma_wait3A_208 : memref<10240x128xf32, #tpu.memory_space<vmem_shared>>)
          %dma_wait3A_209 = arith.constant 0 : i32
          %dma_wait3A_210 = arith.constant 0 : i32
          %dma_wait3A_211 = tpu.memref_slice %arg9[%dma_wait3A_209, %dma_wait3A_210] : memref<16x80xi32, #tpu.memory_space<vmem>> -> memref<1x80xi32, #tpu.memory_space<vmem>>
          %dma_wait3A_212 = tpu.memref_squeeze %dma_wait3A_211 : memref<1x80xi32, #tpu.memory_space<vmem>> -> memref<80xi32, #tpu.memory_space<vmem>>
          %dma_wait3A_213 = arith.constant 0 : i32
          %dma_wait3A_214 = arith.constant 0 : i32
          %dma_wait3A_215 = tpu.memref_slice %arg23[%dma_wait3A_213, %dma_wait3A_214] : memref<10240x128xf32, #tpu.memory_space<vmem_shared>> -> memref<10240x128xf32, #tpu.memory_space<vmem_shared>>
          tpu.wait_indirect_dma semaphore(%arg19 : memref<!tpu.dma_semaphore, #tpu.memory_space<semaphore_mem>>) src(%arg11 : memref<80x128xf32, #tpu.memory_space<vmem>>) dst(%dma_wait3A_215 : memref<10240x128xf32, #tpu.memory_space<vmem_shared>>)
          %dma_wait3A_216 = arith.constant 0 : i32
          %dma_wait3A_217 = arith.constant 0 : i32
          %dma_wait3A_218 = tpu.memref_slice %arg9[%dma_wait3A_216, %dma_wait3A_217] : memref<16x80xi32, #tpu.memory_space<vmem>> -> memref<1x80xi32, #tpu.memory_space<vmem>>
          %dma_wait3A_219 = tpu.memref_squeeze %dma_wait3A_218 : memref<1x80xi32, #tpu.memory_space<vmem>> -> memref<80xi32, #tpu.memory_space<vmem>>
          %dma_wait3A_220 = arith.constant 0 : i32
          %dma_wait3A_221 = arith.constant 0 : i32
          %dma_wait3A_222 = tpu.memref_slice %arg23[%dma_wait3A_220, %dma_wait3A_221] : memref<10240x128xf32, #tpu.memory_space<vmem_shared>> -> memref<10240x128xf32, #tpu.memory_space<vmem_shared>>
          tpu.wait_indirect_dma semaphore(%arg20 : memref<!tpu.dma_semaphore, #tpu.memory_space<semaphore_mem>>) src(%arg12 : memref<80x128xf32, #tpu.memory_space<vmem>>) dst(%dma_wait3A_222 : memref<10240x128xf32, #tpu.memory_space<vmem_shared>>)
          %dma_wait3A_223 = arith.constant 0 : i32
          %dma_wait3A_224 = arith.constant 0 : i32
          %dma_wait3A_225 = tpu.memref_slice %arg9[%dma_wait3A_223, %dma_wait3A_224] : memref<16x80xi32, #tpu.memory_space<vmem>> -> memref<1x80xi32, #tpu.memory_space<vmem>>
          %dma_wait3A_226 = tpu.memref_squeeze %dma_wait3A_225 : memref<1x80xi32, #tpu.memory_space<vmem>> -> memref<80xi32, #tpu.memory_space<vmem>>
          %dma_wait3A_227 = arith.constant 0 : i32
          %dma_wait3A_228 = arith.constant 0 : i32
          %dma_wait3A_229 = tpu.memref_slice %arg23[%dma_wait3A_227, %dma_wait3A_228] : memref<10240x128xf32, #tpu.memory_space<vmem_shared>> -> memref<10240x128xf32, #tpu.memory_space<vmem_shared>>
          tpu.wait_indirect_dma semaphore(%arg21 : memref<!tpu.dma_semaphore, #tpu.memory_space<semaphore_mem>>) src(%arg13 : memref<80x128xf32, #tpu.memory_space<vmem>>) dst(%dma_wait3A_229 : memref<10240x128xf32, #tpu.memory_space<vmem_shared>>)
        } else {
        }
      }
      %scan3A_124 = arith.constant 4 : i32
      %lt3A_125 = arith.constant 7 : i32
      %lt3A_126 = arith.cmpi slt, %scan3A_15, %lt3A_125 : i32
      %convert_element_type3A_127 = arith.extui %lt3A_126 : i1 to i32
      %cond3A_128 = arith.constant 0 : i32
      %cond3A_129 = arith.cmpi ne, %convert_element_type3A_127, %cond3A_128 : i32
      scf.if %cond3A_129 {
        %dma_wait3A_130 = arith.constant 0 : i32
        %dma_wait3A_131 = arith.constant 0 : i32
        %dma_wait3A_132 = tpu.memref_slice %arg3[%add3A, %dma_wait3A_130, %dma_wait3A_131] : memref<32x256x80xi32, #tpu.memory_space<hbm>> -> memref<1x16x80xi32, #tpu.memory_space<hbm>>
        %dma_wait3A_133 = tpu.memref_squeeze %dma_wait3A_132 : memref<1x16x80xi32, #tpu.memory_space<hbm>> -> memref<16x80xi32, #tpu.memory_space<hbm>>
        %dma_wait3A_134 = arith.constant 0 : i32
        %dma_wait3A_135 = arith.constant 0 : i32
        %dma_wait3A_136 = tpu.memref_slice %arg3[%add3A, %dma_wait3A_134, %dma_wait3A_135] : memref<32x256x80xi32, #tpu.memory_space<hbm>> -> memref<1x16x80xi32, #tpu.memory_space<hbm>>
        %dma_wait3A_137 = tpu.memref_squeeze %dma_wait3A_136 : memref<1x16x80xi32, #tpu.memory_space<hbm>> -> memref<16x80xi32, #tpu.memory_space<hbm>>
        tpu.wait_dma2 semaphore(%arg22 : memref<!tpu.dma_semaphore, #tpu.memory_space<semaphore_mem>>) src(%dma_wait3A_137 : memref<16x80xi32, #tpu.memory_space<hbm>>) dst(%arg6 : memref<16x80xi32, #tpu.memory_space<vmem>>)
        %dma_wait3A_138 = arith.constant 0 : i32
        %dma_wait3A_139 = arith.constant 0 : i32
        %dma_wait3A_140 = tpu.memref_slice %arg4[%arg1, %dma_wait3A_138, %dma_wait3A_139] : memref<16x256x80xi32, #tpu.memory_space<hbm>> -> memref<1x16x80xi32, #tpu.memory_space<hbm>>
        %dma_wait3A_141 = tpu.memref_squeeze %dma_wait3A_140 : memref<1x16x80xi32, #tpu.memory_space<hbm>> -> memref<16x80xi32, #tpu.memory_space<hbm>>
        %dma_wait3A_142 = arith.constant 0 : i32
        %dma_wait3A_143 = arith.constant 0 : i32
        %dma_wait3A_144 = tpu.memref_slice %arg4[%arg1, %dma_wait3A_142, %dma_wait3A_143] : memref<16x256x80xi32, #tpu.memory_space<hbm>> -> memref<1x16x80xi32, #tpu.memory_space<hbm>>
        %dma_wait3A_145 = tpu.memref_squeeze %dma_wait3A_144 : memref<1x16x80xi32, #tpu.memory_space<hbm>> -> memref<16x80xi32, #tpu.memory_space<hbm>>
        tpu.wait_dma2 semaphore(%arg22 : memref<!tpu.dma_semaphore, #tpu.memory_space<semaphore_mem>>) src(%dma_wait3A_145 : memref<16x80xi32, #tpu.memory_space<hbm>>) dst(%arg7 : memref<16x80xi32, #tpu.memory_space<vmem>>)
      } else {
      }
    }
    %scan3A_13 = arith.constant 8 : i32
    %barrier3A_14 = arith.constant 0 : index
    tpu.barrier barrier_id(%barrier3A_14)
    "tpu.region"() ({
      %run_scoped3A = tpu.sem_alloc : memref<!tpu.dma_semaphore, #tpu.memory_space<semaphore_mem>>
      %dma_start3A = arith.constant 0 : i32
      %dma_start3A_15 = tpu.memref_slice %arg5[%arg0, %mul3A_2, %dma_start3A] : memref<2x10240x128xf32, #tpu.memory_space<hbm>> -> memref<1x640x128xf32, #tpu.memory_space<hbm>>
      %dma_start3A_16 = tpu.memref_squeeze %dma_start3A_15 : memref<1x640x128xf32, #tpu.memory_space<hbm>> -> memref<640x128xf32, #tpu.memory_space<hbm>>
      %dma_start3A_17 = arith.constant 0 : i32
      %dma_start3A_18 = tpu.memref_slice %arg23[%mul3A_2, %dma_start3A_17] : memref<10240x128xf32, #tpu.memory_space<vmem_shared>> -> memref<640x128xf32, #tpu.memory_space<vmem_shared>>
      tpu.enqueue_dma source(%dma_start3A_18 : memref<640x128xf32, #tpu.memory_space<vmem_shared>>) target(%dma_start3A_16 : memref<640x128xf32, #tpu.memory_space<hbm>>) target_semaphore(%run_scoped3A : memref<!tpu.dma_semaphore, #tpu.memory_space<semaphore_mem>>)
      %dma_wait3A = arith.constant 0 : i32
      %dma_wait3A_19 = tpu.memref_slice %arg5[%arg0, %mul3A_2, %dma_wait3A] : memref<2x10240x128xf32, #tpu.memory_space<hbm>> -> memref<1x640x128xf32, #tpu.memory_space<hbm>>
      %dma_wait3A_20 = tpu.memref_squeeze %dma_wait3A_19 : memref<1x640x128xf32, #tpu.memory_space<hbm>> -> memref<640x128xf32, #tpu.memory_space<hbm>>
      %dma_wait3A_21 = arith.constant 0 : i32
      %dma_wait3A_22 = tpu.memref_slice %arg23[%mul3A_2, %dma_wait3A_21] : memref<10240x128xf32, #tpu.memory_space<vmem_shared>> -> memref<640x128xf32, #tpu.memory_space<vmem_shared>>
      tpu.wait_dma2 semaphore(%run_scoped3A : memref<!tpu.dma_semaphore, #tpu.memory_space<semaphore_mem>>) src(%dma_wait3A_22 : memref<640x128xf32, #tpu.memory_space<vmem_shared>>) dst(%dma_wait3A_20 : memref<640x128xf32, #tpu.memory_space<hbm>>)
      tpu.yield
    }) : () -> ()
    return
  }
}

module attributes {stable_mosaic.version = 14 : i64} {
  func.func @_prep_body(%arg0: i32, %arg1: memref<2560x128xf32, #tpu.memory_space<vmem>>, %arg2: memref<128x128xf32, #tpu.memory_space<vmem>>, %arg3: memref<1x128xf32, #tpu.memory_space<vmem>>, %arg4: memref<128x128xf32, #tpu.memory_space<vmem>>, %arg5: memref<1x128xf32, #tpu.memory_space<vmem>>, %arg6: memref<2x2560xf32, #tpu.memory_space<vmem>>, %arg7: memref<2x2560x128xf32, #tpu.memory_space<vmem>>) attributes {dimension_semantics = [#tpu.dimension_semantics<arbitrary>], iteration_bounds = array<i64: 4>, scalar_prefetch = 0 : i64, scratch_operands = 0 : i64, tpu.core_type = #tpu.core_type<tc>, window_params = [{transform_indices = @transform_0, window_bounds = array<i64: 2560, 128>}, {pipeline_mode = #tpu.pipeline_mode<synchronous>, transform_indices = @transform_1, window_bounds = array<i64: 128, 128>}, {pipeline_mode = #tpu.pipeline_mode<synchronous>, transform_indices = @transform_2, window_bounds = array<i64: 1, 128>}, {pipeline_mode = #tpu.pipeline_mode<synchronous>, transform_indices = @transform_3, window_bounds = array<i64: 128, 128>}, {pipeline_mode = #tpu.pipeline_mode<synchronous>, transform_indices = @transform_4, window_bounds = array<i64: 1, 128>}, {transform_indices = @transform_5, window_bounds = array<i64: 2, 2560>}, {transform_indices = @transform_6, window_bounds = array<i64: 2, 2560, 128>}]} {
    %get3A = arith.constant 0 : index
    %get3A_0 = arith.constant 0 : index
    %get3A_1 = vector.load %arg1[%get3A, %get3A_0] : memref<2560x128xf32, #tpu.memory_space<vmem>>, vector<2560x128xf32>
    %get3A_2 = arith.constant 0 : index
    %get3A_3 = arith.constant 0 : index
    %get3A_4 = vector.load %arg2[%get3A_2, %get3A_3] : memref<128x128xf32, #tpu.memory_space<vmem>>, vector<128x128xf32>
    %dot_general3A = arith.constant dense<0.000000e+00> : vector<2560x128xf32>
    %dot_general3A_5 = tpu.matmul %get3A_1, %get3A_4, %dot_general3A {dimension_numbers = #tpu.dot_dimension_numbers<[1], [1], [0], [0], [0, 0, 1, 0], [], []>, transpose_lhs_hint = false} : vector<2560x128xf32>, vector<128x128xf32>, vector<2560x128xf32> -> vector<2560x128xf32>
    %get3A_6 = arith.constant 0 : index
    %get3A_7 = arith.constant 0 : index
    %get3A_8 = vector.load %arg3[%get3A_6, %get3A_7] : memref<1x128xf32, #tpu.memory_space<vmem>>, vector<1x128xf32>
    %add3A = vector.broadcast %get3A_8 : vector<1x128xf32> to vector<2560x128xf32>
    %add3A_9 = arith.addf %dot_general3A_5, %add3A : vector<2560x128xf32>
    %get3A_10 = arith.constant 0 : index
    %get3A_11 = arith.constant 0 : index
    %get3A_12 = vector.load %arg4[%get3A_10, %get3A_11] : memref<128x128xf32, #tpu.memory_space<vmem>>, vector<128x128xf32>
    %dot_general3A_13 = arith.constant dense<0.000000e+00> : vector<2560x128xf32>
    %dot_general3A_14 = tpu.matmul %get3A_1, %get3A_12, %dot_general3A_13 {dimension_numbers = #tpu.dot_dimension_numbers<[1], [1], [0], [0], [0, 0, 1, 0], [], []>, transpose_lhs_hint = false} : vector<2560x128xf32>, vector<128x128xf32>, vector<2560x128xf32> -> vector<2560x128xf32>
    %get3A_15 = arith.constant 0 : index
    %get3A_16 = arith.constant 0 : index
    %get3A_17 = vector.load %arg5[%get3A_15, %get3A_16] : memref<1x128xf32, #tpu.memory_space<vmem>>, vector<1x128xf32>
    %add3A_18 = vector.broadcast %get3A_17 : vector<1x128xf32> to vector<2560x128xf32>
    %add3A_19 = arith.addf %dot_general3A_14, %add3A_18 : vector<2560x128xf32>
    %mul3A = arith.mulf %add3A_19, %add3A_19 : vector<2560x128xf32>
    %reduce_sum3A = arith.constant dense<0.000000e+00> : vector<2560xf32>
    %reduce_sum3A_20 = vector.multi_reduction <add>, %mul3A, %reduce_sum3A [1] : vector<2560x128xf32> to vector<2560xf32>
    %broadcast_in_dim3A = vector.shape_cast %reduce_sum3A_20 : vector<2560xf32> to vector<2560x1xf32>
    %sqrt3A = math.sqrt %broadcast_in_dim3A : vector<2560x1xf32>
    %max3A = arith.constant 9.99999996E-13 : f32
    %max3A_21 = vector.broadcast %max3A : f32 to vector<2560x1xf32>
    %max3A_22 = arith.maximumf %sqrt3A, %max3A_21 : vector<2560x1xf32>
    %div3A = vector.broadcast %max3A_22 : vector<2560x1xf32> to vector<2560x128xf32>
    %div3A_23 = arith.divf %add3A_19, %div3A : vector<2560x128xf32>
    %mul3A_24 = arith.constant 1.800000e+00 : f32
    %mul3A_25 = vector.broadcast %mul3A_24 : f32 to vector<2560x128xf32>
    %mul3A_26 = arith.mulf %div3A_23, %mul3A_25 : vector<2560x128xf32>
    %get3A_27 = arith.constant 0 : index
    %get3A_28 = arith.constant 0 : index
    %get3A_29 = vector.load %arg6[%get3A_27, %get3A_28] : memref<2x2560xf32, #tpu.memory_space<vmem>>, vector<2x2560xf32>
    %slice3A = vector.extract_strided_slice %get3A_29 {offsets = [0, 0], sizes = [1, 2560], strides = [1, 1]} : vector<2x2560xf32> to vector<1x2560xf32>
    %squeeze3A = vector.shape_cast %slice3A : vector<1x2560xf32> to vector<2560xf32>
    %slice3A_30 = vector.extract_strided_slice %get3A_29 {offsets = [1, 0], sizes = [1, 2560], strides = [1, 1]} : vector<2x2560xf32> to vector<1x2560xf32>
    %squeeze3A_31 = vector.shape_cast %slice3A_30 : vector<1x2560xf32> to vector<2560xf32>
    %add3A_32 = arith.addf %squeeze3A, %squeeze3A_31 : vector<2560xf32>
    %add3A_33 = arith.constant 1.000000e+00 : f32
    %add3A_34 = vector.broadcast %add3A_33 : f32 to vector<2560xf32>
    %add3A_35 = arith.addf %add3A_32, %add3A_34 : vector<2560xf32>
    %sqrt3A_36 = math.sqrt %add3A_35 : vector<2560xf32>
    %div3A_37 = arith.constant 1.000000e+00 : f32
    %div3A_38 = vector.broadcast %div3A_37 : f32 to vector<2560xf32>
    %div3A_39 = arith.divf %div3A_38, %sqrt3A_36 : vector<2560xf32>
    %broadcast_in_dim3A_40 = vector.shape_cast %div3A_39 : vector<2560xf32> to vector<2560x1xf32>
    %mul3A_41 = vector.broadcast %broadcast_in_dim3A_40 : vector<2560x1xf32> to vector<2560x128xf32>
    %mul3A_42 = arith.mulf %add3A_9, %mul3A_41 : vector<2560x128xf32>
    %swap3A = arith.constant 0 : index
    %swap3A_43 = arith.constant 0 : index
    %swap3A_44 = arith.constant 0 : index
    %swap3A_45 = vector.load %arg7[%swap3A, %swap3A_43, %swap3A_44] : memref<2x2560x128xf32, #tpu.memory_space<vmem>>, vector<1x2560x128xf32>
    %swap3A_46 = vector.shape_cast %swap3A_45 : vector<1x2560x128xf32> to vector<2560x128xf32>
    %swap3A_47 = vector.shape_cast %mul3A_42 : vector<2560x128xf32> to vector<1x2560x128xf32>
    tpu.vector_store %arg7[%swap3A, %swap3A_43, %swap3A_44], %swap3A_47 {strides = array<i32>} : memref<2x2560x128xf32, #tpu.memory_space<vmem>>, vector<1x2560x128xf32>,
    %mul3A_48 = vector.broadcast %broadcast_in_dim3A_40 : vector<2560x1xf32> to vector<2560x128xf32>
    %mul3A_49 = arith.mulf %mul3A_26, %mul3A_48 : vector<2560x128xf32>
    %swap3A_50 = arith.constant 1 : index
    %swap3A_51 = arith.constant 0 : index
    %swap3A_52 = arith.constant 0 : index
    %swap3A_53 = vector.load %arg7[%swap3A_50, %swap3A_51, %swap3A_52] : memref<2x2560x128xf32, #tpu.memory_space<vmem>>, vector<1x2560x128xf32>
    %swap3A_54 = vector.shape_cast %swap3A_53 : vector<1x2560x128xf32> to vector<2560x128xf32>
    %swap3A_55 = vector.shape_cast %mul3A_49 : vector<2560x128xf32> to vector<1x2560x128xf32>
    tpu.vector_store %arg7[%swap3A_50, %swap3A_51, %swap3A_52], %swap3A_55 {strides = array<i32>} : memref<2x2560x128xf32, #tpu.memory_space<vmem>>, vector<1x2560x128xf32>,
    return
  }
  func.func @transform_0(%arg0: i32) -> (i32, i32) {
    %c0_i32 = arith.constant 0 : i32
    %c0_i32_0 = arith.constant 0 : i32
    return %arg0, %c0_i32 : i32, i32
  }
  func.func @transform_1(%arg0: i32) -> (i32, i32) {
    %c0_i32 = arith.constant 0 : i32
    %c0_i32_0 = arith.constant 0 : i32
    %c0_i32_1 = arith.constant 0 : i32
    return %c0_i32, %c0_i32_0 : i32, i32
  }
  func.func @transform_2(%arg0: i32) -> (i32, i32) {
    %c0_i32 = arith.constant 0 : i32
    %c0_i32_0 = arith.constant 0 : i32
    %c0_i32_1 = arith.constant 0 : i32
    return %c0_i32, %c0_i32_0 : i32, i32
  }
  func.func @transform_3(%arg0: i32) -> (i32, i32) {
    %c0_i32 = arith.constant 0 : i32
    %c0_i32_0 = arith.constant 0 : i32
    %c0_i32_1 = arith.constant 0 : i32
    return %c0_i32, %c0_i32_0 : i32, i32
  }
  func.func @transform_4(%arg0: i32) -> (i32, i32) {
    %c0_i32 = arith.constant 0 : i32
    %c0_i32_0 = arith.constant 0 : i32
    %c0_i32_1 = arith.constant 0 : i32
    return %c0_i32, %c0_i32_0 : i32, i32
  }
  func.func @transform_5(%arg0: i32) -> (i32, i32) {
    %c0_i32 = arith.constant 0 : i32
    %c0_i32_0 = arith.constant 0 : i32
    return %c0_i32, %arg0 : i32, i32
  }
  func.func @transform_6(%arg0: i32) -> (i32, i32, i32) {
    %c0_i32 = arith.constant 0 : i32
    %c0_i32_0 = arith.constant 0 : i32
    %c0_i32_1 = arith.constant 0 : i32
    return %c0_i32, %arg0, %c0_i32_0 : i32, i32, i32
  }
}

module attributes {stable_mosaic.version = 14 : i64} {
  func.func @_final_body(%arg0: i32, %arg1: memref<2x2560x128xf32, #tpu.memory_space<vmem>>, %arg2: memref<2x2560xf32, #tpu.memory_space<vmem>>, %arg3: memref<2560x128xf32, #tpu.memory_space<vmem>>, %arg4: memref<2560x128xf32, #tpu.memory_space<vmem>>) attributes {dimension_semantics = [#tpu.dimension_semantics<arbitrary>], iteration_bounds = array<i64: 4>, scalar_prefetch = 0 : i64, scratch_operands = 0 : i64, tpu.core_type = #tpu.core_type<tc>, window_params = [{transform_indices = @transform_0, window_bounds = array<i64: 2, 2560, 128>}, {transform_indices = @transform_1, window_bounds = array<i64: 2, 2560>}, {transform_indices = @transform_2, window_bounds = array<i64: 2560, 128>}, {transform_indices = @transform_3, window_bounds = array<i64: 2560, 128>}]} {
    %get3A = arith.constant 0 : index
    %get3A_0 = arith.constant 0 : index
    %get3A_1 = vector.load %arg2[%get3A, %get3A_0] : memref<2x2560xf32, #tpu.memory_space<vmem>>, vector<2x2560xf32>
    %slice3A = vector.extract_strided_slice %get3A_1 {offsets = [0, 0], sizes = [1, 2560], strides = [1, 1]} : vector<2x2560xf32> to vector<1x2560xf32>
    %squeeze3A = vector.shape_cast %slice3A : vector<1x2560xf32> to vector<2560xf32>
    %slice3A_2 = vector.extract_strided_slice %get3A_1 {offsets = [1, 0], sizes = [1, 2560], strides = [1, 1]} : vector<2x2560xf32> to vector<1x2560xf32>
    %squeeze3A_3 = vector.shape_cast %slice3A_2 : vector<1x2560xf32> to vector<2560xf32>
    %add3A = arith.addf %squeeze3A, %squeeze3A_3 : vector<2560xf32>
    %add3A_4 = arith.constant 1.000000e+00 : f32
    %add3A_5 = vector.broadcast %add3A_4 : f32 to vector<2560xf32>
    %add3A_6 = arith.addf %add3A, %add3A_5 : vector<2560xf32>
    %sqrt3A = math.sqrt %add3A_6 : vector<2560xf32>
    %div3A = arith.constant 1.000000e+00 : f32
    %div3A_7 = vector.broadcast %div3A : f32 to vector<2560xf32>
    %div3A_8 = arith.divf %div3A_7, %sqrt3A : vector<2560xf32>
    %broadcast_in_dim3A = vector.shape_cast %div3A_8 : vector<2560xf32> to vector<2560x1xf32>
    %get3A_9 = arith.constant 0 : index
    %get3A_10 = arith.constant 0 : index
    %get3A_11 = arith.constant 0 : index
    %get3A_12 = vector.load %arg1[%get3A_9, %get3A_10, %get3A_11] : memref<2x2560x128xf32, #tpu.memory_space<vmem>>, vector<1x2560x128xf32>
    %get3A_13 = vector.shape_cast %get3A_12 : vector<1x2560x128xf32> to vector<2560x128xf32>
    %mul3A = vector.broadcast %broadcast_in_dim3A : vector<2560x1xf32> to vector<2560x128xf32>
    %mul3A_14 = arith.mulf %mul3A, %get3A_13 : vector<2560x128xf32>
    %swap3A = arith.constant 0 : index
    %swap3A_15 = arith.constant 0 : index
    %swap3A_16 = vector.load %arg4[%swap3A, %swap3A_15] : memref<2560x128xf32, #tpu.memory_space<vmem>>, vector<2560x128xf32>
    tpu.vector_store %arg4[%swap3A, %swap3A_15], %mul3A_14 {strides = array<i32>} : memref<2560x128xf32, #tpu.memory_space<vmem>>, vector<2560x128xf32>,
    %get3A_17 = arith.constant 1 : index
    %get3A_18 = arith.constant 0 : index
    %get3A_19 = arith.constant 0 : index
    %get3A_20 = vector.load %arg1[%get3A_17, %get3A_18, %get3A_19] : memref<2x2560x128xf32, #tpu.memory_space<vmem>>, vector<1x2560x128xf32>
    %get3A_21 = vector.shape_cast %get3A_20 : vector<1x2560x128xf32> to vector<2560x128xf32>
    %mul3A_22 = vector.broadcast %broadcast_in_dim3A : vector<2560x1xf32> to vector<2560x128xf32>
    %mul3A_23 = arith.mulf %mul3A_22, %get3A_21 : vector<2560x128xf32>
    %swap3A_24 = arith.constant 0 : index
    %swap3A_25 = arith.constant 0 : index
    %swap3A_26 = vector.load %arg3[%swap3A_24, %swap3A_25] : memref<2560x128xf32, #tpu.memory_space<vmem>>, vector<2560x128xf32>
    tpu.vector_store %arg3[%swap3A_24, %swap3A_25], %mul3A_23 {strides = array<i32>} : memref<2560x128xf32, #tpu.memory_space<vmem>>, vector<2560x128xf32>,
    return
  }
  func.func @transform_0(%arg0: i32) -> (i32, i32, i32) {
    %c0_i32 = arith.constant 0 : i32
    %c0_i32_0 = arith.constant 0 : i32
    %c0_i32_1 = arith.constant 0 : i32
    return %c0_i32, %arg0, %c0_i32_0 : i32, i32, i32
  }
  func.func @transform_1(%arg0: i32) -> (i32, i32) {
    %c0_i32 = arith.constant 0 : i32
    %c0_i32_0 = arith.constant 0 : i32
    return %c0_i32, %arg0 : i32, i32
  }
  func.func @transform_2(%arg0: i32) -> (i32, i32) {
    %c0_i32 = arith.constant 0 : i32
    %c0_i32_0 = arith.constant 0 : i32
    return %arg0, %c0_i32 : i32, i32
  }
  func.func @transform_3(%arg0: i32) -> (i32, i32) {
    %c0_i32 = arith.constant 0 : i32
    %c0_i32_0 = arith.constant 0 : i32
    return %arg0, %c0_i32 : i32, i32
  }
}

</mosaic_0001>

<sc_bundles>
// kernel: kernel.6.cloned.1.call-start
scs
__scs_entry_jumppad:
0x0: {  	(pc) =	sbr.rel $0x88, $3  }
0x1: {  	(tag) =	ssettag $0x0;
	lr =	simm.s32 $0x1  }
0x2: {  	[smem:$0x3F9B] =	sst lr;
	_ =	strace $0xD0000000  }
0x3: {  	_ = 	snop  }
0x4: {  	_ = 	snop  }
0x5: {  	_ = 	snop  }
0x6: {  	_ = 	snop  }
0x7: {  	_ = 	snop  }
__scs_overlays_trampoline_lowered:
0x8: {  	[smem:$0x3FAA] =	sst s0  }
0x9: {  	[smem:$0x3FAB] =	sst s1  }
0xa: {  	[smem:$0x3FAC] =	sst s2  }
0xb: {  	[smem:$0x3FAD] =	sst s3  }
0xc: {  	[smem:$0x3FAE] =	sst s4  }
0xd: {  	[smem:$0x3FAF] =	sst s5  }
0xe: {  	[smem:$0x3FB0] =	sst s6  }
0xf: {  	[smem:$0x3FB1] =	sst s7  }
0x10: {  	[smem:$0x3FB2] =	sst s8  }
0x11: {  	[smem:$0x3FB3] =	sst s9;
	s0 =	simm.s32 @!p0 $0x0  }
0x12: {  	s1 =	sld [smem:$0x3F99];
	s0 =	simm.s32 @p0 $0x1  }
0x13: {  	[smem:$0x3FB4] =	sst s0;
	s0 =	simm.s32 @!p1 $0x0  }
0x14: {  	s2 =	sld [smem:$0x3F98];
	s0 =	simm.s32 @p1 $0x1  }
0x15: {  	[smem:$0x3FB5] =	sst s0;
	s0 =	simm.s32 @!p2 $0x0  }
0x16: {  	s3 =	sld [smem:$0x3FDB];
	s0 =	simm.s32 @p2 $0x1  }
0x17: {  	s4 =	simm.s32 $0x1BF5;
	[smem:$0x3FB7] =	sst s0  }
0x18: {  	s0 =	sld [smem:$0x3F9A];
	_ =	swait.ge [sflag:s4], $0x0  }
0x19: {  	s7 =	sld [smem:$0x3F9B]  }
0x1a: {  	s8 =	sadd.s32 $0xFFFFE003, lr  }
0x1b: {  	s9 =	sadd.s32 $0xFFFFFEF7, lr;
	s5 =	simm.s32 $0xFFFFFFFF;
	p2 =	slt.u32 s8, $0xFFFFF086  }
0x1c: {  	p1 =	slt.u32 s9, $0xF7A;
	s5 =	simm.s32 @!p2 $0x0  }
0x1d: {  	s5 =	simm.s32 @p1 $0x1;
	p0 =	seq.s32 s7, s2  }
0x1e: {  	s7 =	smul.u32 @!p0 $0xF7A, s2;
	p2 =	seq.s32 @!p0 s5, $0x0  }
0x1f: {  	s9 =	smul.u32 $0xF7A, s1;
	s8 =	simm.s32 @!p0 $0x1BF5;
	p2 =	por !p2, p0  }
0x20: {  	[sflag:s8] =	ssyncset.s32 @!p0 $0xFFFFF086;
	s6 =	sadd.s32 @!p0 s3, s7;
	s7 =	simm.s32 @!p0 $0x108  }
0x21: {  	s3 =	sadd.s32 s3, s9;
	s6 =	sadd.s32 @!p0 $0x88, s6;
	s7 =	simm.s32 @p2 $0x1082  }
0x22: {  	[simem:s7], [sflag:s8] =	dma.local @!p0 [hbm:s6], $0xF7A  }
0x23: {  	s9 =	sor.u32 $0xD0000000, s2;
	s6 =	simm.s32 $0x108;
	_ =	swait.ge @!p0 [sflag:s8], $0x0  }
0x24: {  	s3 =	sadd.s32 $0x88, s3;
	s6 =	simm.s32 @!p1 $0x1082;
	[sflag:s4] =	ssyncset.s32 $0xFFFFF086  }
0x25: {  	[simem:s6], [sflag:s4] =	dma.local [hbm:s3], $0xF7A  }
0x26: {  	[smem:$0x3F9B] =	sst s1;
	(tag) =	ssettag s2;
	_ =	strace s9  }
0x27: {  	s1 =	sld [smem:$0x3FAB]  }
0x28: {  	s2 =	sld [smem:$0x3FAC]  }
0x29: {  	s4 =	sld [smem:$0x3FAE]  }
0x2a: {  	p0 =	seq.s32 s5, $0x0;
	s5 =	sld [smem:$0x3FAF]  }
0x2b: {  	s6 =	sld [smem:$0x3FB0]  }
0x2c: {  	s7 =	sld [smem:$0x3FB1]  }
0x2d: {  	s3 =	simm.s32 $0x108;
	s8 =	sld [smem:$0x3FB2]  }
0x2e: {  	s3 =	simm.s32 @!p0 $0x1082;
	s9 =	sld [smem:$0x3FB3]  }
0x2f: {  	lr =	sadd.s32 s0, s3;
	s0 =	sld [smem:$0x3FAA]  }
0x30: {  	s3 =	sld [smem:$0x3FAD]  }
0x31: {  	[smem:$0x3FB6] =	sst s10  }
0x32: {  	s10 =	sld [smem:$0x3FB4];
	_ =	sdelay $0x3  }
0x33: {  	p0 =	seq.s32 s10, $0x1;
	s10 =	sld [smem:$0x3FB6];
	_ =	sdelay $0x3  }
0x34: {  	[smem:$0x3FB6] =	sst s10  }
0x35: {  	s10 =	sld [smem:$0x3FB5];
	_ =	sdelay $0x3  }
0x36: {  	p1 =	seq.s32 s10, $0x1;
	s10 =	sld [smem:$0x3FB6];
	_ =	sdelay $0x3  }
0x37: {  	[smem:$0x3FB6] =	sst s10  }
0x38: {  	s10 =	sld [smem:$0x3FB7]  }
0x39: {  	_ = 	snop;
	(pc) =	sbr.ind lr, $3  }
0x3a: {  	_ = 	snop  }
0x3b: {  	_ = 	snop  }
0x3c: {  	p2 =	seq.s32 s10, $0x1;
	s10 =	sld [smem:$0x3FB6]  }
0x3d: {  	_ =	shalt  }
0x3e: {  	_ =	shalt  }
0x3f: {  	_ =	shalt  }
0x40: {  	_ =	shalt  }
0x41: {  	_ =	shalt  }
0x42: {  	_ =	shalt  }
0x43: {  	_ =	shalt  }
0x44: {  	_ =	shalt  }
0x45: {  	_ =	shalt  }
0x46: {  	_ =	shalt  }
0x47: {  	_ =	shalt  }
0x48: {  	_ =	shalt  }
0x49: {  	_ =	shalt  }
0x4a: {  	_ =	shalt  }
0x4b: {  	_ =	shalt  }
0x4c: {  	_ =	shalt  }
0x4d: {  	_ =	shalt  }
0x4e: {  	_ =	shalt  }
0x4f: {  	_ =	shalt  }
0x50: {  	_ =	shalt  }
0x51: {  	_ =	shalt  }
0x52: {  	_ =	shalt  }
0x53: {  	_ =	shalt  }
0x54: {  	_ =	shalt  }
0x55: {  	_ =	shalt  }
0x56: {  	_ =	shalt  }
0x57: {  	_ =	shalt  }
0x58: {  	_ =	shalt  }
0x59: {  	_ =	shalt  }
0x5a: {  	_ =	shalt  }
0x5b: {  	_ =	shalt  }
0x5c: {  	_ =	shalt  }
0x5d: {  	_ =	shalt  }
0x5e: {  	_ =	shalt  }
0x5f: {  	_ =	shalt  }
0x60: {  	_ =	shalt  }
0x61: {  	_ =	shalt  }
0x62: {  	_ =	shalt  }
0x63: {  	_ =	shalt  }
0x64: {  	_ =	shalt  }
0x65: {  	_ =	shalt  }
0x66: {  	_ =	shalt  }
0x67: {  	_ =	shalt  }
0x68: {  	_ =	shalt  }
0x69: {  	_ =	shalt  }
0x6a: {  	_ =	shalt  }
0x6b: {  	_ =	shalt  }
0x6c: {  	_ =	shalt  }
0x6d: {  	_ =	shalt  }
0x6e: {  	_ =	shalt  }
0x6f: {  	_ =	shalt  }
0x70: {  	_ =	shalt  }
0x71: {  	_ =	shalt  }
0x72: {  	_ =	shalt  }
0x73: {  	_ =	shalt  }
0x74: {  	_ =	shalt  }
0x75: {  	_ =	shalt  }
0x76: {  	_ =	shalt  }
0x77: {  	_ =	shalt  }
0x78: {  	_ =	shalt  }
0x79: {  	_ =	shalt  }
0x7a: {  	_ =	shalt  }
0x7b: {  	_ =	shalt  }
0x7c: {  	_ =	shalt  }
0x7d: {  	_ =	shalt  }
0x7e: {  	_ =	shalt  }
0x7f: {  	_ =	shalt  }
0x80: {  	_ =	shalt  }
0x81: {  	_ =	shalt  }
0x82: {  	_ =	shalt  }
0x83: {  	_ =	shalt  }
0x84: {  	_ =	shalt  }
0x85: {  	_ =	shalt  }
0x86: {  	_ =	shalt  }
0x87: {  	_ =	shalt  }
.Lfunc_end0:
.L_simem_size_0:
called_computation_lowered:
.L_overlay_start_0:
0x88: {  	s2 =	sld [smem:$0x3FD9]  }
0x89: {  	s3 =	sld [smem:$0x3FFE];
	_ =	sdelay $0x1  }
0x8a: {  	s1 =	srdreg.scid  }
0x8b: {  	s0 =	sand.u32 $0x1, s1  }
0x8c: {  	s16 =	sshll.u32 s0, $0xA;
	s2 =	sadd.s32 s3, s2  }
0x8d: {  	s2 =	sadd.s32 s2, s16  }
0x8e: {  	[smem:$0x3FC2] =	sst s2  }
0x8f: {  	_ = 	snop  }
0x90: {  	(tm) =	ssettm $0x1  }
0x91: {  	s17 =	sld [smem:$0x3FFB];
	_ =	sdelay $0x3  }
0x92: {  	_ =	strace s17  }
0x93: {  	s2 =	sld [smem:$0x3FFC];
	_ =	sdelay $0x3  }
0x94: {  	_ =	strace s2  }
0x95: {  	s2 =	sld [smem:$0x3FFD];
	_ =	sdelay $0x3  }
0x96: {  	_ =	strace s2  }
0x97: {  	_ =	strace $0x8FFFFFFF  }
0x98: {  	s18 =	sld [smem:$0x3FDB];
	_ =	sdelay $0x1  }
0x99: {  	s19 =	simm.s32 $_scs_section_size  }
0x9a: {  	s4 =	simm.s32 $_size__tile_overlayer_lowered;
	s5 =	simm.s32 $_tile_overlayer_lowered  }
0x9b: {  	s22 =	simm.s32 $0x1BFF;
	s21 =	sshll.u32 s5, $0x1;
	s2 =	sadd.s32 s19, s18  }
0x9c: {  	s6 =	simm.s32 $0x0;
	s20 =	sshll.u32 s4, $0x1;
	s4 =	sadd.s32 s21, s2  }
0x9d: {  	[timem:s6], [sflag:s22] =	dma.local [hbm:s4], s20  }
0x9e: {  	_ =	swait.ge [sflag:s22], s20  }
0x9f: {  	s3 =	ssub.s32 $0x0, s20;
	[sflag:s22] =	ssyncset.done $0x0  }
0xa0: {  	[sflag:s22] =	ssyncadd.s32 s3;
	_ =	sdelay $0x1  }
0xa1: {  	s23 =	simm.s32 $0x1B8B  }
0xa2: {  	_ =	swait.ge [sflag:s23], $0x1  }
0xa3: {  	[sflag:s23] =	ssyncset.done $0x0  }
0xa4: {  	s25 =	simm.s32 $0x1B8E;
	s24 =	sld [smem:$0x3FFE];
	[sflag:s23] =	ssyncadd.s32 $0xFFFFFFFF  }
0xa5: {  	s26 =	simm.s32 $execute0_lowered;
	[smem:$0x3FD2] =	sst s25  }
0xa6: {  	s4 =	sshll.u32 s26, $0x1;
	_ =	strace $0x80000046;
	[dreg:$0x1] =	wrdreg $0xFFFFFFFF  }
0xa7: {  	s28 =	simm.s32 $_size_execute0_lowered;
	s2 =	sadd.s32 s2, s4;
	[dreg:$0x0] =	wrdreg $0x0  }
0xa8: {  	s4 =	sshll.u32 s28, $0x1;
	[dreg:$0x2] =	wrdreg s2  }
0xa9: {  	[dreg:$0x3] =	wrdreg s4  }
0xaa: {  	[dreg:$0x4] =	wrdreg $0xC0  }
0xab: {  	_ =	task [dreg:s6], $0x5FFFF  }
0xac: {  	[dreg:$0x1] =	wrdreg $0xFFFFFFFF  }
0xad: {  	[dreg:$0x0] =	wrdreg $0x60  }
0xae: {  	[dreg:$0x2] =	wrdreg s24  }
0xaf: {  	[dreg:$0x3] =	wrdreg $0x29000  }
0xb0: {  	[dreg:$0x4] =	wrdreg $0x9  }
0xb1: {  	_ =	task.clear_ibuf [dreg:s6], $0x5FFFF;
	_ =	strace $0x90000046  }
0xb2: {  	s29 =	simm.s32 $0x9;
	_ =	strace $0x80000048  }
0xb3: {  	_ =	swait.ge [sflag:s29], $0x1  }
0xb4: {  	[sflag:s29] =	ssyncadd.s32 $0xFFFFFFFF  }
0xb5: {  	_ =	strace $0x90000048  }
0xb6: {  	_ =	sfence  }
0xb7: {  	s30 =	sld [smem:$0x0];
	_ =	sdelay $0x2  }
0xb8: {  	s31 =	sshll.u32 s1, $0xD;
	s1 =	sshrl.u32 s1, $0x2  }
0xb9: {  	s3 =	sand.u32 $0x4000, s31;
	s1 =	sadd.s32 s1, s30  }
0xba: {  	s0 =	sor.u32 s3, s0;
	s1 =	sshll.u32 s1, $0x11  }
0xbb: {  	s0 =	sor.u32 s1, s0  }
0xbc: {  	s0 =	sadd.s32 $0x8F2B, s0  }
0xbd: {  	[sflag:s0] =	ssyncadd.remote.s32 $0x1  }
0xbe: {  	_ =	sfence.sel $0xFFFF  }
0xbf: {  	[dreg:$0x0] =	wrdreg $0xFFFFFFFF;
	(pc) =	sbr.abs _section_cstart, $3  }
0xc0: {  	[dreg:$0x1] =	wrdreg $0xFFFFFFFF  }
0xc1: {  	_ =	task.clear_ibuf [dreg:s6], $0x2FFFF;
	_ =	strace $0x9FFFFFFF  }
0xc2: {  	(tm) =	ssettm $0x7FFFFFFF  }
0xc3: {  	_ =	shalt  }
tec
execute0_lowered:
.L_overlay_start_1:
0x0: {  	(tag) =	ssettag $0x1  }
0x1: {  	s0 =	srdreg.scid;
	s5 =	rddreg [dreg:$0x0]  }
0x2: {  	s2 =	rddreg [dreg:$0x1];
	s3 =	simm.s32 $0x0;
	s13 =	simm.s32 $0x1  }
0x3: {  	s14 =	simm.s32 $0x80;
	s15 =	simm.s32 $0x2800;
	s18 =	simm.s32 $0x20  }
0x4: {  	s19 =	simm.s32 $0x10;
	s4 =	sand.u32 $0x1, s0;
	s0 =	stileid.u32  }
0x5: {  	s20 =	simm.s32 $0x0;
	[smem:$0x7FF] =	sst s3;
	s7 =	smul.u32 $0x500, s0  }
0x6: {  	s1 =	sshll.u32 s4, $0x4;
	s8 =	sshll.u32 s4, $0x7;
	s9 =	smul.u32 $0xA00, s0  }
0x7: {  	s29 =	ssub.s32 $0x2, s4;
	s16 =	sshll.u32 s0, $0x6;
	s1 =	sor.u32 s0, s1  }
0x8: {  	s31 =	sshrl.u32 s29, $0x1;
	s16 =	sor.u32 $0x1C01, s16;
	s6 =	smul.u32 $0x500, s1  }
0x9: {  	s1 =	rddreg [dreg:$0x2];
	_ =	strace $0x80000047;
	s30 =	sshrl.u32 s9, $0x2  }
0xa: {  	s28 =	sor.u32 s8, s7;
	s12 =	ssub.s32 s29, s31;
	s4 =	sadd.s32 s30, s2  }
0xb: {  	s10 =	sadd.s32 s6, s5;
	s6 =	sshrl.u32 s28, $0x3;
	s7 =	sadd.s32 $0x180, s4  }
0xc: {  	s8 =	sadd.s32 $0x200, s4;
	s17 =	sshrl.u32 s4, $0x3;
	s11 =	sadd.s32 s6, s5  }
0xd: {  	s5 =	sadd.s32 $0x80, s4;
	s6 =	sadd.s32 $0x100, s4;
	s9 =	sadd.s32 $0x1A00, s10  }
0xe: {  	v0 =	vimm.f32 $1.000000000e+00;
	v1 =	vimm.f32 $0.0e+00;
	s10 =	sadd.s32 $0xBA00, s11;
	s11 =	smax.u32 s12, $0x1;
	s12 =	simm.s32 $0x2880  }
.LBB2_1:
0xf: {  	[tilespmem:$0x2800] =	vst v0  }
0x10: {  	[tilespmem:$0x2880] =	vst v1  }
0x11: {  	[tilespmem:$0x2810] =	vst v0  }
0x12: {  	[tilespmem:$0x2890] =	vst v1  }
0x13: {  	[tilespmem:$0x2820] =	vst v0  }
0x14: {  	[tilespmem:$0x28A0] =	vst v1  }
0x15: {  	[tilespmem:$0x2830] =	vst v0  }
0x16: {  	[tilespmem:$0x28B0] =	vst v1  }
0x17: {  	[tilespmem:$0x2840] =	vst v0  }
0x18: {  	[tilespmem:$0x28C0] =	vst v1  }
0x19: {  	[tilespmem:$0x2850] =	vst v0  }
0x1a: {  	[tilespmem:$0x28D0] =	vst v1  }
0x1b: {  	[tilespmem:$0x2860] =	vst v0  }
0x1c: {  	[tilespmem:$0x28E0] =	vst v1  }
0x1d: {  	[tilespmem:$0x2870] =	vst v0  }
0x1e: {  	[tilespmem:$0x28F0] =	vst v1  }
0x1f: {  	[spmem:s4] =	stream.linear.scatter [tilespmem:s12], [sflag:$0x1], $0x80, $0x38;
	[tilespmem:$0x2B80] =	vst v63  }
0x20: {  	_ =	swait.ge [sflag:s13], $0x80  }
0x21: {  	[sflag:s13] =	ssyncset.done $0x0  }
0x22: {  	[sflag:s13] =	ssyncadd.s32 $0xFFFFFF80  }
0x23: {  	[spmem:s5] =	stream.linear.scatter [tilespmem:s12], [sflag:$0x1], $0x80, $0x38;
	[tilespmem:$0x2B80] =	vst v63  }
0x24: {  	_ =	swait.ge [sflag:s13], $0x80  }
0x25: {  	[sflag:s13] =	ssyncset.done $0x0  }
0x26: {  	[sflag:s13] =	ssyncadd.s32 $0xFFFFFF80  }
0x27: {  	[spmem:s6] =	stream.linear.scatter [tilespmem:s12], [sflag:$0x1], $0x80, $0x38;
	[tilespmem:$0x2B80] =	vst v63  }
0x28: {  	_ =	swait.ge [sflag:s13], $0x80  }
0x29: {  	[sflag:s13] =	ssyncset.done $0x0  }
0x2a: {  	[sflag:s13] =	ssyncadd.s32 $0xFFFFFF80  }
0x2b: {  	[spmem:s7] =	stream.linear.scatter [tilespmem:s12], [sflag:$0x1], $0x80, $0x38;
	[tilespmem:$0x2B80] =	vst v63  }
0x2c: {  	_ =	swait.ge [sflag:s13], $0x80  }
0x2d: {  	[sflag:s13] =	ssyncset.done $0x0  }
0x2e: {  	[sflag:s13] =	ssyncadd.s32 $0xFFFFFF80  }
0x2f: {  	[spmem:s8] =	stream.linear.scatter [tilespmem:s12], [sflag:$0x1], $0x80, $0x38;
	[tilespmem:$0x2B80] =	vst v63  }
0x30: {  	_ =	swait.ge [sflag:s13], $0x80  }
0x31: {  	[sflag:s13] =	ssyncset.done $0x0  }
0x32: {  	[sflag:s13] =	ssyncadd.s32 $0xFFFFFF80  }
0x33: {  	[tilespmem:s3], [sflag:$0x1] =	stream.linear.gather [hbm4b:s9+s3], $0x2800, $0x38;
	[tilespmem:$0x2B80] =	vst v63  }
0x34: {  	_ =	swait.ge [sflag:s13], $0x2800  }
0x35: {  	[sflag:s13] =	ssyncset.done $0x0  }
0x36: {  	[sflag:s13] =	ssyncadd.s32 $0xFFFFD800  }
0x37: {  	s21 =	simm.s32 $0x0;
	[bflag:$0x0] =	sbarrier.arrive $0xFFFF  }
0x38: {  	[spmem:s2] =	stream.indirect.scatter.add.f32 [tilespmem:s15], [sflag:$0x1], $0x1, s21, s14, $0xb8;
	[tilespmem:$0x2B80] =	vst v63  }
0x39: {  	_ =	swait.ge [sflag:s13], $0x80  }
0x3a: {  	s21 =	simm.s32 $0x200;
	[sflag:s13] =	ssyncset.done $0x0  }
.LBB2_2:
0x3b: {  	s22 =	sshra.s32 s21, $0x2;
	[sflag:s13] =	ssyncadd.s32 $0xFFFFFF80;
	p0 =	sne.s32 s21, $0x9E00  }
0x3c: {  	[spmem:s2] =	stream.indirect.scatter.add.f32 [tilespmem:s15], [sflag:$0x1], $0x1, s22, s14, $0xb8;
	[tilespmem:$0x2B80] =	vst v63  }
.Ltmp0:
0x3d: {  	_ = 	snop;
	(pc) =	sbr.rel @p0 .LBB2_2-.Ltmp0, $4  }
0x3e: {  	_ = 	snop  }
0x3f: {  	s21 =	sadd.s32 $0x200, s21  }
0x40: {  	_ =	swait.ge [sflag:s13], $0x80  }
0x41: {  	[sflag:s13] =	ssyncset.done $0x0  }
0x42: {  	s20 =	sadd.s32 $0x1, s20  }
0x43: {  	[sflag:s13] =	ssyncadd.s32 $0xFFFFFF80;
	p0 =	sne.s32 s20, s11  }
.Ltmp1:
0x44: {  	[bflag:$0x0] =	sbarrier.arrive $0xFFFF;
	(pc) =	sbr.rel @p0 .LBB2_1-.Ltmp1, $4  }
0x45: {  	[hbm:s10@s18], [sflag:s16] =	dma.strided [spmem:s17@s19], $0x50, s13, $0x10   }
0x46: {  	_ =	swait.ge [sflag:s13], $0x50  }
0x47: {  	[sflag:s13] =	ssyncset.done $0x0  }
0x48: {  	[sflag:s13] =	ssyncadd.s32 $0xFFFFFFB0  }
0x49: {  	_ =	sfence.sel $0x180000  }
0x4a: {  	[bflag:$0x0] =	sbarrier.arrive $0xFFFF  }
0x4b: {  	p0 =	sne.s32 s0, $0x0;
	_ =	strace $0x90000047  }
0x4c: {  	s0 =	sadd.s32 @!p0 $0x100000, s1;
	[bflag:$0x2] =	sbarrier.arrive $0xFFFF  }
0x4d: {  	[sflag:s0] =	ssyncadd.tile.s32 @!p0 $0x1;
	_ =	shalt  }
.Lfunc_end2:
_tile_overlayer_lowered:
.L_overlay_start_2:
0x4e: {  	(tag) =	ssettag $0x2  }
0x4f: {  	s0 =	rddreg [dreg:$0x0];
	s2 =	stileid.u32  }
0x50: {  	s1 =	rddreg [dreg:$0x1];
	p0 =	sne.s32 s2, $0x0  }
0x51: {  	s3 =	rddreg [dreg:$0x2];
	[bflag:$0x3] =	sbarrier.arrive $0xFFFF;
	s2 =	simm.s32 @!p0 $0x1C01  }
0x52: {  	[timem:s3], [sflag:s2] =	dma.local @!p0 [hbm:s0], s1  }
0x53: {  	s0 =	simm.s32 @!p0 $0x1  }
0x54: {  	_ =	swait.ge @!p0 [sflag:s0], s1  }
0x55: {  	s1 =	ssub.s32 @!p0 $0x0, s1;
	[sflag:s0] =	ssyncset.done @!p0 $0x0  }
0x56: {  	[sflag:s0] =	ssyncadd.s32 @!p0 s1  }
0x57: {  	[bflag:$0x3] =	sbarrier.arrive $0xFFFF  }
0x58: {  	_ =	shalt  }

// kernel: kernel.9.cloned.1.call-start
scs
__scs_entry_jumppad:
0x0: {  	(pc) =	sbr.rel $0x88, $3  }
0x1: {  	(tag) =	ssettag $0x0;
	lr =	simm.s32 $0x1  }
0x2: {  	[smem:$0x3F9B] =	sst lr;
	_ =	strace $0xD0000000  }
0x3: {  	_ = 	snop  }
0x4: {  	_ = 	snop  }
0x5: {  	_ = 	snop  }
0x6: {  	_ = 	snop  }
0x7: {  	_ = 	snop  }
__scs_overlays_trampoline_lowered:
0x8: {  	[smem:$0x3FAA] =	sst s0  }
0x9: {  	[smem:$0x3FAB] =	sst s1  }
0xa: {  	[smem:$0x3FAC] =	sst s2  }
0xb: {  	[smem:$0x3FAD] =	sst s3  }
0xc: {  	[smem:$0x3FAE] =	sst s4  }
0xd: {  	[smem:$0x3FAF] =	sst s5  }
0xe: {  	[smem:$0x3FB0] =	sst s6  }
0xf: {  	[smem:$0x3FB1] =	sst s7  }
0x10: {  	[smem:$0x3FB2] =	sst s8  }
0x11: {  	[smem:$0x3FB3] =	sst s9;
	s0 =	simm.s32 @!p0 $0x0  }
0x12: {  	s1 =	sld [smem:$0x3F99];
	s0 =	simm.s32 @p0 $0x1  }
0x13: {  	[smem:$0x3FB4] =	sst s0;
	s0 =	simm.s32 @!p1 $0x0  }
0x14: {  	s2 =	sld [smem:$0x3F98];
	s0 =	simm.s32 @p1 $0x1  }
0x15: {  	[smem:$0x3FB5] =	sst s0;
	s0 =	simm.s32 @!p2 $0x0  }
0x16: {  	s3 =	sld [smem:$0x3FDB];
	s0 =	simm.s32 @p2 $0x1  }
0x17: {  	s4 =	simm.s32 $0x1BF5;
	[smem:$0x3FB7] =	sst s0  }
0x18: {  	s0 =	sld [smem:$0x3F9A];
	_ =	swait.ge [sflag:s4], $0x0  }
0x19: {  	s7 =	sld [smem:$0x3F9B]  }
0x1a: {  	s8 =	sadd.s32 $0xFFFFE003, lr  }
0x1b: {  	s9 =	sadd.s32 $0xFFFFFEF7, lr;
	s5 =	simm.s32 $0xFFFFFFFF;
	p2 =	slt.u32 s8, $0xFFFFF086  }
0x1c: {  	p1 =	slt.u32 s9, $0xF7A;
	s5 =	simm.s32 @!p2 $0x0  }
0x1d: {  	s5 =	simm.s32 @p1 $0x1;
	p0 =	seq.s32 s7, s2  }
0x1e: {  	s7 =	smul.u32 @!p0 $0xF7A, s2;
	p2 =	seq.s32 @!p0 s5, $0x0  }
0x1f: {  	s9 =	smul.u32 $0xF7A, s1;
	s8 =	simm.s32 @!p0 $0x1BF5;
	p2 =	por !p2, p0  }
0x20: {  	[sflag:s8] =	ssyncset.s32 @!p0 $0xFFFFF086;
	s6 =	sadd.s32 @!p0 s3, s7;
	s7 =	simm.s32 @!p0 $0x108  }
0x21: {  	s3 =	sadd.s32 s3, s9;
	s6 =	sadd.s32 @!p0 $0x88, s6;
	s7 =	simm.s32 @p2 $0x1082  }
0x22: {  	[simem:s7], [sflag:s8] =	dma.local @!p0 [hbm:s6], $0xF7A  }
0x23: {  	s9 =	sor.u32 $0xD0000000, s2;
	s6 =	simm.s32 $0x108;
	_ =	swait.ge @!p0 [sflag:s8], $0x0  }
0x24: {  	s3 =	sadd.s32 $0x88, s3;
	s6 =	simm.s32 @!p1 $0x1082;
	[sflag:s4] =	ssyncset.s32 $0xFFFFF086  }
0x25: {  	[simem:s6], [sflag:s4] =	dma.local [hbm:s3], $0xF7A  }
0x26: {  	[smem:$0x3F9B] =	sst s1;
	(tag) =	ssettag s2;
	_ =	strace s9  }
0x27: {  	s1 =	sld [smem:$0x3FAB]  }
0x28: {  	s2 =	sld [smem:$0x3FAC]  }
0x29: {  	s4 =	sld [smem:$0x3FAE]  }
0x2a: {  	p0 =	seq.s32 s5, $0x0;
	s5 =	sld [smem:$0x3FAF]  }
0x2b: {  	s6 =	sld [smem:$0x3FB0]  }
0x2c: {  	s7 =	sld [smem:$0x3FB1]  }
0x2d: {  	s3 =	simm.s32 $0x108;
	s8 =	sld [smem:$0x3FB2]  }
0x2e: {  	s3 =	simm.s32 @!p0 $0x1082;
	s9 =	sld [smem:$0x3FB3]  }
0x2f: {  	lr =	sadd.s32 s0, s3;
	s0 =	sld [smem:$0x3FAA]  }
0x30: {  	s3 =	sld [smem:$0x3FAD]  }
0x31: {  	[smem:$0x3FB6] =	sst s10  }
0x32: {  	s10 =	sld [smem:$0x3FB4];
	_ =	sdelay $0x3  }
0x33: {  	p0 =	seq.s32 s10, $0x1;
	s10 =	sld [smem:$0x3FB6];
	_ =	sdelay $0x3  }
0x34: {  	[smem:$0x3FB6] =	sst s10  }
0x35: {  	s10 =	sld [smem:$0x3FB5];
	_ =	sdelay $0x3  }
0x36: {  	p1 =	seq.s32 s10, $0x1;
	s10 =	sld [smem:$0x3FB6];
	_ =	sdelay $0x3  }
0x37: {  	[smem:$0x3FB6] =	sst s10  }
0x38: {  	s10 =	sld [smem:$0x3FB7]  }
0x39: {  	_ = 	snop;
	(pc) =	sbr.ind lr, $3  }
0x3a: {  	_ = 	snop  }
0x3b: {  	_ = 	snop  }
0x3c: {  	p2 =	seq.s32 s10, $0x1;
	s10 =	sld [smem:$0x3FB6]  }
0x3d: {  	_ =	shalt  }
0x3e: {  	_ =	shalt  }
0x3f: {  	_ =	shalt  }
0x40: {  	_ =	shalt  }
0x41: {  	_ =	shalt  }
0x42: {  	_ =	shalt  }
0x43: {  	_ =	shalt  }
0x44: {  	_ =	shalt  }
0x45: {  	_ =	shalt  }
0x46: {  	_ =	shalt  }
0x47: {  	_ =	shalt  }
0x48: {  	_ =	shalt  }
0x49: {  	_ =	shalt  }
0x4a: {  	_ =	shalt  }
0x4b: {  	_ =	shalt  }
0x4c: {  	_ =	shalt  }
0x4d: {  	_ =	shalt  }
0x4e: {  	_ =	shalt  }
0x4f: {  	_ =	shalt  }
0x50: {  	_ =	shalt  }
0x51: {  	_ =	shalt  }
0x52: {  	_ =	shalt  }
0x53: {  	_ =	shalt  }
0x54: {  	_ =	shalt  }
0x55: {  	_ =	shalt  }
0x56: {  	_ =	shalt  }
0x57: {  	_ =	shalt  }
0x58: {  	_ =	shalt  }
0x59: {  	_ =	shalt  }
0x5a: {  	_ =	shalt  }
0x5b: {  	_ =	shalt  }
0x5c: {  	_ =	shalt  }
0x5d: {  	_ =	shalt  }
0x5e: {  	_ =	shalt  }
0x5f: {  	_ =	shalt  }
0x60: {  	_ =	shalt  }
0x61: {  	_ =	shalt  }
0x62: {  	_ =	shalt  }
0x63: {  	_ =	shalt  }
0x64: {  	_ =	shalt  }
0x65: {  	_ =	shalt  }
0x66: {  	_ =	shalt  }
0x67: {  	_ =	shalt  }
0x68: {  	_ =	shalt  }
0x69: {  	_ =	shalt  }
0x6a: {  	_ =	shalt  }
0x6b: {  	_ =	shalt  }
0x6c: {  	_ =	shalt  }
0x6d: {  	_ =	shalt  }
0x6e: {  	_ =	shalt  }
0x6f: {  	_ =	shalt  }
0x70: {  	_ =	shalt  }
0x71: {  	_ =	shalt  }
0x72: {  	_ =	shalt  }
0x73: {  	_ =	shalt  }
0x74: {  	_ =	shalt  }
0x75: {  	_ =	shalt  }
0x76: {  	_ =	shalt  }
0x77: {  	_ =	shalt  }
0x78: {  	_ =	shalt  }
0x79: {  	_ =	shalt  }
0x7a: {  	_ =	shalt  }
0x7b: {  	_ =	shalt  }
0x7c: {  	_ =	shalt  }
0x7d: {  	_ =	shalt  }
0x7e: {  	_ =	shalt  }
0x7f: {  	_ =	shalt  }
0x80: {  	_ =	shalt  }
0x81: {  	_ =	shalt  }
0x82: {  	_ =	shalt  }
0x83: {  	_ =	shalt  }
0x84: {  	_ =	shalt  }
0x85: {  	_ =	shalt  }
0x86: {  	_ =	shalt  }
0x87: {  	_ =	shalt  }
.Lfunc_end0:
.L_simem_size_0:
called_computation.1_lowered:
.L_overlay_start_0:
0x88: {  	s2 =	sld [smem:$0x3FD9]  }
0x89: {  	s3 =	sld [smem:$0x3FFE];
	_ =	sdelay $0x1  }
0x8a: {  	s1 =	srdreg.scid  }
0x8b: {  	s0 =	sand.u32 $0x1, s1  }
0x8c: {  	s14 =	sshll.u32 s0, $0xA;
	s2 =	sadd.s32 s3, s2  }
0x8d: {  	s2 =	sadd.s32 s2, s14  }
0x8e: {  	[smem:$0x3FC2] =	sst s2  }
0x8f: {  	_ = 	snop  }
0x90: {  	s2 =	sld [smem:$0x3FD0];
	_ =	sdelay $0x2  }
0x91: {  	s15 =	simm.s32 $0xA;
	s4 =	simm.s32 $0x10  }
0x92: {  	[smem:s4], [sflag:s15] =	dma.local [hbm:s2], $0x1  }
0x93: {  	_ =	swait.eq [sflag:s15], $0x1  }
0x94: {  	[sflag:s15] =	ssyncset.done $0x0  }
0x95: {  	s16 =	sld [smem:$0x10];
	[sflag:s15] =	ssyncadd.s32 $0xFFFFFFFF  }
0x96: {  	s17 =	sld [smem:$0x11];
	(tm) =	ssettm $0x1  }
0x97: {  	s18 =	sld [smem:$0x3FFB];
	_ =	sdelay $0x3  }
0x98: {  	_ =	strace s18  }
0x99: {  	s4 =	sld [smem:$0x3FFC];
	_ =	sdelay $0x3  }
0x9a: {  	_ =	strace s4  }
0x9b: {  	s4 =	sld [smem:$0x3FFD];
	_ =	sdelay $0x3  }
0x9c: {  	_ =	strace s4  }
0x9d: {  	_ =	strace $0x8FFFFFFF  }
0x9e: {  	s19 =	sld [smem:$0x3FDB];
	_ =	sdelay $0x1  }
0x9f: {  	s5 =	simm.s32 $_scs_section_size  }
0xa0: {  	s6 =	simm.s32 $_size__tile_overlayer_lowered;
	s7 =	simm.s32 $_tile_overlayer_lowered  }
0xa1: {  	s22 =	simm.s32 $0x1BFF;
	s21 =	sshll.u32 s7, $0x1;
	s4 =	sadd.s32 s5, s19  }
0xa2: {  	s8 =	simm.s32 $0x0;
	s20 =	sshll.u32 s6, $0x1;
	s6 =	sadd.s32 s21, s4  }
0xa3: {  	[timem:s8], [sflag:s22] =	dma.local [hbm:s6], s20  }
0xa4: {  	_ =	swait.ge [sflag:s22], s20  }
0xa5: {  	s5 =	ssub.s32 $0x0, s20;
	[sflag:s22] =	ssyncset.done $0x0  }
0xa6: {  	[sflag:s22] =	ssyncadd.s32 s5;
	_ =	sdelay $0x1  }
0xa7: {  	s23 =	simm.s32 $0x1B8B  }
0xa8: {  	_ =	swait.ge [sflag:s23], $0x1  }
0xa9: {  	[sflag:s23] =	ssyncset.done $0x0  }
0xaa: {  	s25 =	simm.s32 $0x1B8E;
	s24 =	sld [smem:$0x3FFE];
	[sflag:s23] =	ssyncadd.s32 $0xFFFFFFFF  }
0xab: {  	s26 =	simm.s32 $execute0_lowered;
	[smem:$0x3FD2] =	sst s25  }
0xac: {  	s6 =	sshll.u32 s26, $0x1;
	_ =	strace $0x80000049;
	[dreg:$0x1] =	wrdreg $0xFFFFFFFF  }
0xad: {  	s28 =	simm.s32 $_size_execute0_lowered;
	s4 =	sadd.s32 s4, s6;
	[dreg:$0x0] =	wrdreg $0x0  }
0xae: {  	s6 =	sshll.u32 s28, $0x1;
	[dreg:$0x2] =	wrdreg s4  }
0xaf: {  	[dreg:$0x3] =	wrdreg s6  }
0xb0: {  	[dreg:$0x4] =	wrdreg $0xC0  }
0xb1: {  	_ =	task [dreg:s8], $0x5FFFF  }
0xb2: {  	[dreg:$0x1] =	wrdreg $0xFFFFFFFF  }
0xb3: {  	[dreg:$0x0] =	wrdreg $0x60  }
0xb4: {  	[dreg:$0x2] =	wrdreg s24  }
0xb5: {  	[dreg:$0x3] =	wrdreg s17  }
0xb6: {  	[dreg:$0x4] =	wrdreg s16  }
0xb7: {  	[dreg:$0x5] =	wrdreg $0xC0000  }
0xb8: {  	[dreg:$0x6] =	wrdreg $0x9  }
0xb9: {  	_ =	task.clear_ibuf [dreg:s8], $0x7FFFF;
	_ =	strace $0x90000049  }
0xba: {  	s29 =	simm.s32 $0x9;
	_ =	strace $0x8000004B  }
0xbb: {  	_ =	swait.ge [sflag:s29], $0x1  }
0xbc: {  	[sflag:s29] =	ssyncadd.s32 $0xFFFFFFFF  }
0xbd: {  	_ =	strace $0x9000004B  }
0xbe: {  	_ =	sfence  }
0xbf: {  	s30 =	sld [smem:$0x0];
	_ =	sdelay $0x2  }
0xc0: {  	s31 =	sshll.u32 s1, $0xD;
	s1 =	sshrl.u32 s1, $0x2  }
0xc1: {  	s3 =	sand.u32 $0x4000, s31;
	s1 =	sadd.s32 s1, s30  }
0xc2: {  	s0 =	sor.u32 s3, s0;
	s1 =	sshll.u32 s1, $0x11  }
0xc3: {  	s0 =	sor.u32 s1, s0  }
0xc4: {  	s0 =	sadd.s32 $0x8F2B, s0  }
0xc5: {  	[sflag:s0] =	ssyncadd.remote.s32 $0x1  }
0xc6: {  	_ =	sfence.sel $0xFFFF  }
0xc7: {  	[dreg:$0x0] =	wrdreg $0xFFFFFFFF;
	(pc) =	sbr.abs _section_cstart, $3  }
0xc8: {  	[dreg:$0x1] =	wrdreg $0xFFFFFFFF  }
0xc9: {  	_ =	task.clear_ibuf [dreg:s8], $0x2FFFF;
	_ =	strace $0x9FFFFFFF  }
0xca: {  	(tm) =	ssettm $0x7FFFFFFF  }
0xcb: {  	_ =	shalt  }
tec
execute0_lowered:
.L_overlay_start_1:
0x0: {  	(tag) =	ssettag $0x1  }
0x1: {  	s0 =	rddreg [dreg:$0x0]  }
0x2: {  	s1 =	rddreg [dreg:$0x1]  }
0x3: {  	s5 =	rddreg [dreg:$0x2];
	s3 =	srdreg.scid  }
0x4: {  	s2 =	rddreg [dreg:$0x3];
	s14 =	stileid.u32  }
0x5: {  	s29 =	simm.s32 $0x9800;
	s30 =	simm.s32 $0x1;
	s7 =	smul.u32 $0x14000, s14  }
0x6: {  	s31 =	simm.s32 $0x2;
	s16 =	simm.s32 $0x1780;
	s8 =	smul.u32 $0x50000, s14  }
0x7: {  	s28 =	simm.s32 $0x1E80;
	s6 =	sand.u32 $0x1, s3;
	s11 =	smul.u32 $0x2800, s14  }
0x8: {  	s3 =	simm.s32 $0x0;
	s19 =	sshll.u32 s14, $0xF;
	s4 =	smul.u32 $0x140000, s6  }
0x9: {  	s22 =	sshll.u32 s14, $0xC;
	p0 =	seq.s32 s14, $0xF;
	s9 =	smul.u32 $0x27100, s6  }
0xa: {  	[smem:$0x7FF] =	sst s3;
	s17 =	ssub.s32 $0x2, s6;
	s18 =	smul.u32 $0x138800, s6  }
0xb: {  	s6 =	sshll.u32 s6, $0x13;
	_ =	strace $0x8000004A;
	s10 =	sshrl.u32 s17, $0x1  }
0xc: {  	s8 =	sshrl.u32 s8, $0x2;
	s6 =	sor.u32 s19, s6;
	s19 =	simm.s32 $0x1000  }
0xd: {  	s7 =	sadd.s32 s7, s4;
	s4 =	sadd.s32 $0x1A00, s0;
	s15 =	sadd.s32 s8, s2  }
0xe: {  	s9 =	sadd.s32 s11, s9;
	s8 =	sshrl.u32 s18, $0x3;
	s20 =	sshrl.u32 s6, $0x3  }
0xf: {  	s23 =	sor.u32 $0x800, s6;
	s25 =	sor.u32 $0x1000, s6;
	s11 =	simm.s32 $0x6  }
0x10: {  	s18 =	simm.s32 $0x1F00;
	s7 =	sshrl.u32 s7, $0x3;
	s9 =	sadd.s32 s4, s9  }
0x11: {  	s8 =	sadd.s32 s4, s8;
	s21 =	sadd.s32 s1, s20;
	s26 =	sshrl.u32 s25, $0x3  }
0x12: {  	[dreg:$0x5] =	wrdreg s15;
	s20 =	simm.s32 $0x1800;
	s25 =	simm.s32 $0x9  }
0x13: {  	s0 =	sadd.s32 s7, s0;
	s7 =	ssub.s32 s17, s10;
	[dreg:$0x6] =	wrdreg s9  }
0x14: {  	s10 =	sadd.s32 $0x12C000, s2;
	s8 =	sadd.s32 $0x25800, s8;
	[dreg:$0x8] =	wrdreg s21  }
0x15: {  	s9 =	sadd.s32 s5, s22;
	s13 =	sadd.s32 s26, s1;
	s21 =	simm.s32 $0x50  }
0x16: {  	s22 =	simm.s32 $0x2000;
	s26 =	simm.s32 $0x7000;
	s5 =	simm.s32 $0x5  }
0x17: {  	s17 =	simm.s32 $0x8;
	[dreg:$0x7] =	wrdreg s8;
	s0 =	sadd.s32 $0x4FC00, s0  }
0x18: {  	s24 =	smax.u32 s7, $0x1;
	s7 =	simm.s32 $0x4;
	[dreg:$0x9] =	wrdreg s0  }
0x19: {  	s8 =	simm.s32 $0x0;
	[dreg:$0xa] =	wrdreg s24;
	s0 =	sshrl.u32 s23, $0x3  }
.Ltmp0:
0x1a: {  	s12 =	sadd.s32 s0, s1;
	s0 =	sshrl.u32 @p0 s10, $0x3;
	(pc) =	sbr.rel .LBB2_1-.Ltmp0, $4  }
0x1b: {  	s24 =	simm.s32 $0x4800;
	[dreg:$0xb] =	wrdreg s0;
	s0 =	sshll.u32 @!p0 s14, $0x6  }
0x1c: {  	s23 =	simm.s32 $0x1E00;
	s1 =	simm.s32 $0x3;
	s0 =	sor.u32 @!p0 $0x1C0A, s0  }
0x1d: {  	s14 =	simm.s32 $0xA;
	[dreg:$0xc] =	wrdreg s0;
	s0 =	sshrl.u32 @!p0 s15, $0x3  }
0x1e: {  	s15 =	simm.s32 $0x7;
	[dreg:$0xd] =	wrdreg s0;
	s0 =	simm.s32 $0x1F80  }
.LBB2_4:
0x1f: {  	s6 =	stileid.u32;
	[bflag:$0x0] =	sbarrier.arrive $0xFFFF  }
0x20: {  	s14 =	simm.s32 $0xA;
	s6 =	sshll.u32 s6, $0x6;
	s8 =	rddreg [dreg:$0x5]  }
0x21: {  	s10 =	rddreg [dreg:$0x9];
	s6 =	sor.u32 $0x1C0A, s6;
	s8 =	sshrl.u32 s8, $0x3  }
0x22: {  	[hbm:s10], [sflag:s6] =	dma.local [spmem:s8], $0x2800  }
0x23: {  	_ =	swait.ge [sflag:s14], $0x2800  }
0x24: {  	s6 =	rddreg [dreg:$0xe]  }
0x25: {  	s10 =	rddreg [dreg:$0xa];
	s8 =	sadd.s32 $0x1, s6  }
0x26: {  	p1 =	sne.s32 s8, s10  }
.Ltmp1:
0x27: {  	_ = 	snop;
	(pc) =	sbr.rel @!p1 .LBB2_5-.Ltmp1, $3  }
0x28: {  	_ =	sdelay $0x1  }
0x29: {  	[sflag:s14] =	ssyncset.done $0x0  }
0x2a: {  	[sflag:s14] =	ssyncadd.s32 $0xFFFFD800  }
.LBB2_1:
0x2b: {  	[dreg:$0xe] =	wrdreg s8  }
0x2c: {  	s8 =	rddreg [dreg:$0x7]  }
0x2d: {  	s6 =	simm.s32 @p0 $0x1FCA;
	s10 =	rddreg [dreg:$0xb]  }
0x2e: {  	[spmem:s10], [sflag:s6] =	dma.local @p0 [hbm:s8], $0x1900  }
0x2f: {  	s6 =	simm.s32 @p0 $0xA  }
0x30: {  	_ =	swait.ge @p0 [sflag:s6], $0x1900  }
0x31: {  	s8 =	rddreg [dreg:$0xc]  }
0x32: {  	[sflag:s6] =	ssyncset.done @p0 $0x0;
	s10 =	rddreg [dreg:$0xd]  }
0x33: {  	[sflag:s6] =	ssyncadd.s32 @p0 $0xFFFFE700;
	s6 =	rddreg [dreg:$0x6]  }
0x34: {  	[spmem:s10], [sflag:s8] =	dma.local @!p0 [hbm:s6], $0x2800  }
0x35: {  	s6 =	simm.s32 @!p0 $0xA  }
0x36: {  	_ =	swait.ge @!p0 [sflag:s6], $0x2800  }
0x37: {  	[sflag:s6] =	ssyncset.done @!p0 $0x0  }
0x38: {  	[sflag:s6] =	ssyncadd.s32 @!p0 $0xFFFFD800  }
0x39: {  	[bflag:$0x0] =	sbarrier.arrive $0xFFFF  }
0x3a: {  	s8 =	rddreg [dreg:$0x8]  }
0x3b: {  	[tilespmem:s3], [sflag:$0xA] =	stream.linear.gather [hbm4b:s8+s3], $0x800, $0x38;
	v63 =	vld [tilespmem:$0x0]  }
0x3c: {  	_ =	swait.ge [sflag:s14], $0x800  }
0x3d: {  	[sflag:s14] =	ssyncset.done $0x0  }
0x3e: {  	s10 =	simm.s32 $0x800;
	[sflag:s14] =	ssyncadd.s32 $0xFFFFF800  }
0x3f: {  	[tilespmem:s10], [sflag:$0xA] =	stream.linear.gather [hbm4b:s9+s3], $0x800, $0x38;
	v63 =	vld [tilespmem:$0x0]  }
0x40: {  	_ =	swait.ge [sflag:s14], $0x800  }
0x41: {  	[sflag:s14] =	ssyncset.done $0x0  }
0x42: {  	s6 =	simm.s32 $0x0;
	[sflag:s14] =	ssyncadd.s32 $0xFFFFF800  }
.LBB2_2:
0x43: {  	s8 =	sadd.s32 s6, s12;
	s14 =	sadd.s32 s6, s9  }
0x44: {  	[tilespmem:s19], [sflag:$0x9] =	stream.linear.gather [hbm4b:s8+s3], $0x800, $0x38;
	v63 =	vld [tilespmem:$0x0]  }
0x45: {  	s8 =	sadd.s32 $0x100, s14  }
0x46: {  	[tilespmem:s20], [sflag:$0x9] =	stream.linear.gather [hbm4b:s8+s3], $0x800, $0x38;
	v63 =	vld [tilespmem:$0x0]  }
0x47: {  	_ = 	snop  }
0x48: {  	[tilespmem:s22], [sflag:$0x1] =	stream.indirect.gather [hbm4b:s4+s21], $0x80, s3, s21, $0xb8;
	v63 =	vld [tilespmem:$0x0]  }
0x49: {  	s10 =	simm.s32 $0x80  }
0x4a: {  	[tilespmem:s24], [sflag:$0x2] =	stream.indirect.gather [hbm4b:s4+s21], $0x80, s10, s21, $0xb8;
	v63 =	vld [tilespmem:$0x0]  }
0x4b: {  	s14 =	simm.s32 $0x100  }
0x4c: {  	[tilespmem:s26], [sflag:$0x3] =	stream.indirect.gather [hbm4b:s4+s21], $0x80, s14, s21, $0xb8;
	v63 =	vld [tilespmem:$0x0]  }
0x4d: {  	s10 =	simm.s32 $0x180  }
0x4e: {  	[tilespmem:s29], [sflag:$0x4] =	stream.indirect.gather [hbm4b:s4+s21], $0x80, s10, s21, $0xb8;
	v63 =	vld [tilespmem:$0x0]  }
0x4f: {  	_ =	swait.ge [sflag:s30], $0x2800  }
0x50: {  	[sflag:s30] =	ssyncset.done $0x0  }
0x51: {  	s14 =	simm.s32 $0x800;
	[sflag:s30] =	ssyncadd.s32 $0xFFFFD800  }
0x52: {  	[spmem:s2] =	stream.indirect.scatter.add.f32 [tilespmem:s22], [sflag:$0x5], $0x80, s14, s21, $0xb8;
	v63 =	vld [tilespmem:$0x0]  }
0x53: {  	_ =	swait.ge [sflag:s31], $0x2800  }
0x54: {  	[sflag:s31] =	ssyncset.done $0x0  }
0x55: {  	s10 =	simm.s32 $0x880;
	[sflag:s31] =	ssyncadd.s32 $0xFFFFD800  }
0x56: {  	[spmem:s2] =	stream.indirect.scatter.add.f32 [tilespmem:s24], [sflag:$0x6], $0x80, s10, s21, $0xb8;
	v63 =	vld [tilespmem:$0x0]  }
0x57: {  	_ =	swait.ge [sflag:s1], $0x2800  }
0x58: {  	[sflag:s1] =	ssyncset.done $0x0  }
0x59: {  	s14 =	simm.s32 $0x900;
	[sflag:s1] =	ssyncadd.s32 $0xFFFFD800  }
0x5a: {  	[spmem:s2] =	stream.indirect.scatter.add.f32 [tilespmem:s26], [sflag:$0x7], $0x80, s14, s21, $0xb8;
	v63 =	vld [tilespmem:$0x0]  }
0x5b: {  	_ =	swait.ge [sflag:s7], $0x2800  }
0x5c: {  	[sflag:s7] =	ssyncset.done $0x0  }
0x5d: {  	s10 =	simm.s32 $0x980;
	[sflag:s7] =	ssyncadd.s32 $0xFFFFD800  }
0x5e: {  	[spmem:s2] =	stream.indirect.scatter.add.f32 [tilespmem:s29], [sflag:$0x8], $0x80, s10, s21, $0xb8;
	v63 =	vld [tilespmem:$0x0]  }
0x5f: {  	_ =	swait.ge [sflag:s5], $0x2800  }
0x60: {  	[sflag:s5] =	ssyncset.done $0x0  }
0x61: {  	s14 =	simm.s32 $0x200;
	[sflag:s5] =	ssyncadd.s32 $0xFFFFD800  }
0x62: {  	[tilespmem:s22], [sflag:$0x1] =	stream.indirect.gather [hbm4b:s4+s21], $0x80, s14, s21, $0xb8;
	v63 =	vld [tilespmem:$0x0]  }
0x63: {  	_ =	swait.ge [sflag:s11], $0x2800  }
0x64: {  	[sflag:s11] =	ssyncset.done $0x0  }
0x65: {  	s10 =	simm.s32 $0x280;
	[sflag:s11] =	ssyncadd.s32 $0xFFFFD800  }
0x66: {  	[tilespmem:s24], [sflag:$0x2] =	stream.indirect.gather [hbm4b:s4+s21], $0x80, s10, s21, $0xb8;
	v63 =	vld [tilespmem:$0x0]  }
0x67: {  	_ =	swait.ge [sflag:s15], $0x2800  }
0x68: {  	[sflag:s15] =	ssyncset.done $0x0  }
0x69: {  	s14 =	simm.s32 $0x300;
	[sflag:s15] =	ssyncadd.s32 $0xFFFFD800  }
0x6a: {  	[tilespmem:s26], [sflag:$0x3] =	stream.indirect.gather [hbm4b:s4+s21], $0x80, s14, s21, $0xb8;
	v63 =	vld [tilespmem:$0x0]  }
0x6b: {  	_ =	swait.ge [sflag:s17], $0x2800  }
0x6c: {  	[sflag:s17] =	ssyncset.done $0x0  }
0x6d: {  	s10 =	simm.s32 $0x380;
	[sflag:s17] =	ssyncadd.s32 $0xFFFFD800  }
0x6e: {  	[tilespmem:s29], [sflag:$0x4] =	stream.indirect.gather [hbm4b:s4+s21], $0x80, s10, s21, $0xb8;
	v63 =	vld [tilespmem:$0x0]  }
0x6f: {  	_ =	swait.ge [sflag:s30], $0x2800  }
0x70: {  	[sflag:s30] =	ssyncset.done $0x0  }
0x71: {  	s14 =	simm.s32 $0xA00;
	[sflag:s30] =	ssyncadd.s32 $0xFFFFD800  }
0x72: {  	[spmem:s2] =	stream.indirect.scatter.add.f32 [tilespmem:s22], [sflag:$0x5], $0x80, s14, s21, $0xb8;
	v63 =	vld [tilespmem:$0x0]  }
0x73: {  	_ =	swait.ge [sflag:s31], $0x2800  }
0x74: {  	[sflag:s31] =	ssyncset.done $0x0  }
0x75: {  	s10 =	simm.s32 $0xA80;
	[sflag:s31] =	ssyncadd.s32 $0xFFFFD800  }
0x76: {  	[spmem:s2] =	stream.indirect.scatter.add.f32 [tilespmem:s24], [sflag:$0x6], $0x80, s10, s21, $0xb8;
	v63 =	vld [tilespmem:$0x0]  }
0x77: {  	_ =	swait.ge [sflag:s1], $0x2800  }
0x78: {  	[sflag:s1] =	ssyncset.done $0x0  }
0x79: {  	s14 =	simm.s32 $0xB00;
	[sflag:s1] =	ssyncadd.s32 $0xFFFFD800  }
0x7a: {  	[spmem:s2] =	stream.indirect.scatter.add.f32 [tilespmem:s26], [sflag:$0x7], $0x80, s14, s21, $0xb8;
	v63 =	vld [tilespmem:$0x0]  }
0x7b: {  	_ =	swait.ge [sflag:s7], $0x2800  }
0x7c: {  	[sflag:s7] =	ssyncset.done $0x0  }
0x7d: {  	s10 =	simm.s32 $0xB80;
	[sflag:s7] =	ssyncadd.s32 $0xFFFFD800  }
0x7e: {  	[spmem:s2] =	stream.indirect.scatter.add.f32 [tilespmem:s29], [sflag:$0x8], $0x80, s10, s21, $0xb8;
	v63 =	vld [tilespmem:$0x0]  }
0x7f: {  	_ =	swait.ge [sflag:s5], $0x2800  }
0x80: {  	[sflag:s5] =	ssyncset.done $0x0  }
0x81: {  	s14 =	simm.s32 $0x400;
	[sflag:s5] =	ssyncadd.s32 $0xFFFFD800  }
0x82: {  	[tilespmem:s22], [sflag:$0x1] =	stream.indirect.gather [hbm4b:s4+s21], $0x80, s14, s21, $0xb8;
	v63 =	vld [tilespmem:$0x0]  }
0x83: {  	_ =	swait.ge [sflag:s11], $0x2800  }
0x84: {  	[sflag:s11] =	ssyncset.done $0x0  }
0x85: {  	s10 =	simm.s32 $0x480;
	[sflag:s11] =	ssyncadd.s32 $0xFFFFD800  }
0x86: {  	[tilespmem:s24], [sflag:$0x2] =	stream.indirect.gather [hbm4b:s4+s21], $0x80, s10, s21, $0xb8;
	v63 =	vld [tilespmem:$0x0]  }
0x87: {  	_ =	swait.ge [sflag:s15], $0x2800  }
0x88: {  	[sflag:s15] =	ssyncset.done $0x0  }
0x89: {  	s14 =	simm.s32 $0x500;
	[sflag:s15] =	ssyncadd.s32 $0xFFFFD800  }
0x8a: {  	[tilespmem:s26], [sflag:$0x3] =	stream.indirect.gather [hbm4b:s4+s21], $0x80, s14, s21, $0xb8;
	v63 =	vld [tilespmem:$0x0]  }
0x8b: {  	_ =	swait.ge [sflag:s17], $0x2800  }
0x8c: {  	[sflag:s17] =	ssyncset.done $0x0  }
0x8d: {  	s10 =	simm.s32 $0x580;
	[sflag:s17] =	ssyncadd.s32 $0xFFFFD800  }
0x8e: {  	[tilespmem:s29], [sflag:$0x4] =	stream.indirect.gather [hbm4b:s4+s21], $0x80, s10, s21, $0xb8;
	v63 =	vld [tilespmem:$0x0]  }
0x8f: {  	_ =	swait.ge [sflag:s30], $0x2800  }
0x90: {  	[sflag:s30] =	ssyncset.done $0x0  }
0x91: {  	s14 =	simm.s32 $0xC00;
	[sflag:s30] =	ssyncadd.s32 $0xFFFFD800  }
0x92: {  	[spmem:s2] =	stream.indirect.scatter.add.f32 [tilespmem:s22], [sflag:$0x5], $0x80, s14, s21, $0xb8;
	v63 =	vld [tilespmem:$0x0]  }
0x93: {  	_ =	swait.ge [sflag:s31], $0x2800  }
0x94: {  	[sflag:s31] =	ssyncset.done $0x0  }
0x95: {  	s10 =	simm.s32 $0xC80;
	[sflag:s31] =	ssyncadd.s32 $0xFFFFD800  }
0x96: {  	[spmem:s2] =	stream.indirect.scatter.add.f32 [tilespmem:s24], [sflag:$0x6], $0x80, s10, s21, $0xb8;
	v63 =	vld [tilespmem:$0x0]  }
0x97: {  	_ =	swait.ge [sflag:s1], $0x2800  }
0x98: {  	[sflag:s1] =	ssyncset.done $0x0  }
0x99: {  	s14 =	simm.s32 $0xD00;
	[sflag:s1] =	ssyncadd.s32 $0xFFFFD800  }
0x9a: {  	[spmem:s2] =	stream.indirect.scatter.add.f32 [tilespmem:s26], [sflag:$0x7], $0x80, s14, s21, $0xb8;
	v63 =	vld [tilespmem:$0x0]  }
0x9b: {  	_ =	swait.ge [sflag:s7], $0x2800  }
0x9c: {  	[sflag:s7] =	ssyncset.done $0x0  }
0x9d: {  	s10 =	simm.s32 $0xD80;
	[sflag:s7] =	ssyncadd.s32 $0xFFFFD800  }
0x9e: {  	[spmem:s2] =	stream.indirect.scatter.add.f32 [tilespmem:s29], [sflag:$0x8], $0x80, s10, s21, $0xb8;
	v63 =	vld [tilespmem:$0x0]  }
0x9f: {  	_ =	swait.ge [sflag:s5], $0x2800  }
0xa0: {  	[sflag:s5] =	ssyncset.done $0x0  }
0xa1: {  	s14 =	simm.s32 $0x600;
	[sflag:s5] =	ssyncadd.s32 $0xFFFFD800  }
0xa2: {  	[tilespmem:s22], [sflag:$0x1] =	stream.indirect.gather [hbm4b:s4+s21], $0x80, s14, s21, $0xb8;
	v63 =	vld [tilespmem:$0x0]  }
0xa3: {  	_ =	swait.ge [sflag:s11], $0x2800  }
0xa4: {  	[sflag:s11] =	ssyncset.done $0x0  }
0xa5: {  	s10 =	simm.s32 $0x680;
	[sflag:s11] =	ssyncadd.s32 $0xFFFFD800  }
0xa6: {  	[tilespmem:s24], [sflag:$0x2] =	stream.indirect.gather [hbm4b:s4+s21], $0x80, s10, s21, $0xb8;
	v63 =	vld [tilespmem:$0x0]  }
0xa7: {  	_ =	swait.ge [sflag:s15], $0x2800  }
0xa8: {  	[sflag:s15] =	ssyncset.done $0x0  }
0xa9: {  	s14 =	simm.s32 $0x700;
	[sflag:s15] =	ssyncadd.s32 $0xFFFFD800  }
0xaa: {  	[tilespmem:s26], [sflag:$0x3] =	stream.indirect.gather [hbm4b:s4+s21], $0x80, s14, s21, $0xb8;
	v63 =	vld [tilespmem:$0x0]  }
0xab: {  	_ =	swait.ge [sflag:s17], $0x2800  }
0xac: {  	[sflag:s17] =	ssyncset.done $0x0  }
0xad: {  	s10 =	simm.s32 $0x780;
	[sflag:s17] =	ssyncadd.s32 $0xFFFFD800  }
0xae: {  	[tilespmem:s29], [sflag:$0x4] =	stream.indirect.gather [hbm4b:s4+s21], $0x80, s10, s21, $0xb8;
	v63 =	vld [tilespmem:$0x0]  }
0xaf: {  	_ =	swait.ge [sflag:s30], $0x2800  }
0xb0: {  	[sflag:s30] =	ssyncset.done $0x0  }
0xb1: {  	s14 =	simm.s32 $0xE00;
	[sflag:s30] =	ssyncadd.s32 $0xFFFFD800  }
0xb2: {  	[spmem:s2] =	stream.indirect.scatter.add.f32 [tilespmem:s22], [sflag:$0x5], $0x80, s14, s21, $0xb8;
	v63 =	vld [tilespmem:$0x0]  }
0xb3: {  	_ =	swait.ge [sflag:s31], $0x2800  }
0xb4: {  	[sflag:s31] =	ssyncset.done $0x0  }
0xb5: {  	s10 =	simm.s32 $0xE80;
	[sflag:s31] =	ssyncadd.s32 $0xFFFFD800  }
0xb6: {  	[spmem:s2] =	stream.indirect.scatter.add.f32 [tilespmem:s24], [sflag:$0x6], $0x80, s10, s21, $0xb8;
	v63 =	vld [tilespmem:$0x0]  }
0xb7: {  	_ =	swait.ge [sflag:s1], $0x2800  }
0xb8: {  	[sflag:s1] =	ssyncset.done $0x0  }
0xb9: {  	s14 =	simm.s32 $0xF00;
	[sflag:s1] =	ssyncadd.s32 $0xFFFFD800  }
0xba: {  	[spmem:s2] =	stream.indirect.scatter.add.f32 [tilespmem:s26], [sflag:$0x7], $0x80, s14, s21, $0xb8;
	v63 =	vld [tilespmem:$0x0]  }
0xbb: {  	_ =	swait.ge [sflag:s7], $0x2800  }
0xbc: {  	[sflag:s7] =	ssyncset.done $0x0  }
0xbd: {  	s10 =	simm.s32 $0xF80;
	[sflag:s7] =	ssyncadd.s32 $0xFFFFD800  }
0xbe: {  	[spmem:s2] =	stream.indirect.scatter.add.f32 [tilespmem:s29], [sflag:$0x8], $0x80, s10, s21, $0xb8;
	v63 =	vld [tilespmem:$0x0]  }
0xbf: {  	_ =	swait.ge [sflag:s5], $0x2800  }
0xc0: {  	[sflag:s5] =	ssyncset.done $0x0  }
0xc1: {  	[sflag:s5] =	ssyncadd.s32 $0xFFFFD800  }
0xc2: {  	_ =	swait.ge [sflag:s11], $0x2800  }
0xc3: {  	[sflag:s11] =	ssyncset.done $0x0  }
0xc4: {  	[sflag:s11] =	ssyncadd.s32 $0xFFFFD800  }
0xc5: {  	_ =	swait.ge [sflag:s15], $0x2800  }
0xc6: {  	[sflag:s15] =	ssyncset.done $0x0  }
0xc7: {  	[sflag:s15] =	ssyncadd.s32 $0xFFFFD800  }
0xc8: {  	_ =	swait.ge [sflag:s17], $0x2800  }
0xc9: {  	[sflag:s17] =	ssyncset.done $0x0  }
0xca: {  	[sflag:s17] =	ssyncadd.s32 $0xFFFFD800  }
0xcb: {  	_ =	swait.ge [sflag:s25], $0x800  }
0xcc: {  	[sflag:s25] =	ssyncset.done $0x0  }
0xcd: {  	[sflag:s25] =	ssyncadd.s32 $0xFFFFF800  }
0xce: {  	_ =	swait.ge [sflag:s25], $0x800  }
0xcf: {  	p1 =	seq.s32 s6, $0xE00;
	[sflag:s25] =	ssyncset.done $0x0  }
0xd0: {  	s8 =	sadd.s32 @!p1 s6, s13;
	s10 =	simm.s32 @!p1 $0x0;
	[sflag:s25] =	ssyncadd.s32 $0xFFFFF800  }
0xd1: {  	[tilespmem:s10], [sflag:$0x9] =	stream.linear.gather @!p1 [hbm4b:s8+s10], $0x800, $0x38;
	v63 =	vld [tilespmem:$0x0]  }
0xd2: {  	s8 =	sadd.s32 @!p1 s6, s9  }
0xd3: {  	s14 =	simm.s32 @!p1 $0x800;
	s8 =	sadd.s32 @!p1 $0x200, s8  }
0xd4: {  	[tilespmem:s14], [sflag:$0x9] =	stream.linear.gather @!p1 [hbm4b:s8+s10], $0x800, $0x38;
	v63 =	vld [tilespmem:$0x0]  }
0xd5: {  	_ = 	snop  }
0xd6: {  	[tilespmem:s22], [sflag:$0x1] =	stream.indirect.gather [hbm4b:s4+s21], $0x80, s19, s21, $0xb8;
	v63 =	vld [tilespmem:$0x0]  }
0xd7: {  	s14 =	simm.s32 $0x1080  }
0xd8: {  	[tilespmem:s24], [sflag:$0x2] =	stream.indirect.gather [hbm4b:s4+s21], $0x80, s14, s21, $0xb8;
	v63 =	vld [tilespmem:$0x0]  }
0xd9: {  	s10 =	simm.s32 $0x1100  }
0xda: {  	[tilespmem:s26], [sflag:$0x3] =	stream.indirect.gather [hbm4b:s4+s21], $0x80, s10, s21, $0xb8;
	v63 =	vld [tilespmem:$0x0]  }
0xdb: {  	s14 =	simm.s32 $0x1180  }
0xdc: {  	[tilespmem:s29], [sflag:$0x4] =	stream.indirect.gather [hbm4b:s4+s21], $0x80, s14, s21, $0xb8;
	v63 =	vld [tilespmem:$0x0]  }
0xdd: {  	_ =	swait.ge [sflag:s30], $0x2800  }
0xde: {  	[sflag:s30] =	ssyncset.done $0x0  }
0xdf: {  	[sflag:s30] =	ssyncadd.s32 $0xFFFFD800  }
0xe0: {  	[spmem:s2] =	stream.indirect.scatter.add.f32 [tilespmem:s22], [sflag:$0x5], $0x80, s20, s21, $0xb8;
	v63 =	vld [tilespmem:$0x0]  }
0xe1: {  	_ =	swait.ge [sflag:s31], $0x2800  }
0xe2: {  	[sflag:s31] =	ssyncset.done $0x0  }
0xe3: {  	s10 =	simm.s32 $0x1880;
	[sflag:s31] =	ssyncadd.s32 $0xFFFFD800  }
0xe4: {  	[spmem:s2] =	stream.indirect.scatter.add.f32 [tilespmem:s24], [sflag:$0x6], $0x80, s10, s21, $0xb8;
	v63 =	vld [tilespmem:$0x0]  }
0xe5: {  	_ =	swait.ge [sflag:s1], $0x2800  }
0xe6: {  	[sflag:s1] =	ssyncset.done $0x0  }
0xe7: {  	s14 =	simm.s32 $0x1900;
	[sflag:s1] =	ssyncadd.s32 $0xFFFFD800  }
0xe8: {  	[spmem:s2] =	stream.indirect.scatter.add.f32 [tilespmem:s26], [sflag:$0x7], $0x80, s14, s21, $0xb8;
	v63 =	vld [tilespmem:$0x0]  }
0xe9: {  	_ =	swait.ge [sflag:s7], $0x2800  }
0xea: {  	[sflag:s7] =	ssyncset.done $0x0  }
0xeb: {  	s10 =	simm.s32 $0x1980;
	[sflag:s7] =	ssyncadd.s32 $0xFFFFD800  }
0xec: {  	[spmem:s2] =	stream.indirect.scatter.add.f32 [tilespmem:s29], [sflag:$0x8], $0x80, s10, s21, $0xb8;
	v63 =	vld [tilespmem:$0x0]  }
0xed: {  	_ =	swait.ge [sflag:s5], $0x2800  }
0xee: {  	[sflag:s5] =	ssyncset.done $0x0  }
0xef: {  	s14 =	simm.s32 $0x1200;
	[sflag:s5] =	ssyncadd.s32 $0xFFFFD800  }
0xf0: {  	[tilespmem:s22], [sflag:$0x1] =	stream.indirect.gather [hbm4b:s4+s21], $0x80, s14, s21, $0xb8;
	v63 =	vld [tilespmem:$0x0]  }
0xf1: {  	_ =	swait.ge [sflag:s11], $0x2800  }
0xf2: {  	[sflag:s11] =	ssyncset.done $0x0  }
0xf3: {  	s10 =	simm.s32 $0x1280;
	[sflag:s11] =	ssyncadd.s32 $0xFFFFD800  }
0xf4: {  	[tilespmem:s24], [sflag:$0x2] =	stream.indirect.gather [hbm4b:s4+s21], $0x80, s10, s21, $0xb8;
	v63 =	vld [tilespmem:$0x0]  }
0xf5: {  	_ =	swait.ge [sflag:s15], $0x2800  }
0xf6: {  	[sflag:s15] =	ssyncset.done $0x0  }
0xf7: {  	s14 =	simm.s32 $0x1300;
	[sflag:s15] =	ssyncadd.s32 $0xFFFFD800  }
0xf8: {  	[tilespmem:s26], [sflag:$0x3] =	stream.indirect.gather [hbm4b:s4+s21], $0x80, s14, s21, $0xb8;
	v63 =	vld [tilespmem:$0x0]  }
0xf9: {  	_ =	swait.ge [sflag:s17], $0x2800  }
0xfa: {  	[sflag:s17] =	ssyncset.done $0x0  }
0xfb: {  	s10 =	simm.s32 $0x1380;
	[sflag:s17] =	ssyncadd.s32 $0xFFFFD800  }
0xfc: {  	[tilespmem:s29], [sflag:$0x4] =	stream.indirect.gather [hbm4b:s4+s21], $0x80, s10, s21, $0xb8;
	v63 =	vld [tilespmem:$0x0]  }
0xfd: {  	_ =	swait.ge [sflag:s30], $0x2800  }
0xfe: {  	[sflag:s30] =	ssyncset.done $0x0  }
0xff: {  	s14 =	simm.s32 $0x1A00;
	[sflag:s30] =	ssyncadd.s32 $0xFFFFD800  }
0x100: {  	[spmem:s2] =	stream.indirect.scatter.add.f32 [tilespmem:s22], [sflag:$0x5], $0x80, s14, s21, $0xb8;
	v63 =	vld [tilespmem:$0x0]  }
0x101: {  	_ =	swait.ge [sflag:s31], $0x2800  }
0x102: {  	[sflag:s31] =	ssyncset.done $0x0  }
0x103: {  	s10 =	simm.s32 $0x1A80;
	[sflag:s31] =	ssyncadd.s32 $0xFFFFD800  }
0x104: {  	[spmem:s2] =	stream.indirect.scatter.add.f32 [tilespmem:s24], [sflag:$0x6], $0x80, s10, s21, $0xb8;
	v63 =	vld [tilespmem:$0x0]  }
0x105: {  	_ =	swait.ge [sflag:s1], $0x2800  }
0x106: {  	[sflag:s1] =	ssyncset.done $0x0  }
0x107: {  	s14 =	simm.s32 $0x1B00;
	[sflag:s1] =	ssyncadd.s32 $0xFFFFD800  }
0x108: {  	[spmem:s2] =	stream.indirect.scatter.add.f32 [tilespmem:s26], [sflag:$0x7], $0x80, s14, s21, $0xb8;
	v63 =	vld [tilespmem:$0x0]  }
0x109: {  	_ =	swait.ge [sflag:s7], $0x2800  }
0x10a: {  	[sflag:s7] =	ssyncset.done $0x0  }
0x10b: {  	s10 =	simm.s32 $0x1B80;
	[sflag:s7] =	ssyncadd.s32 $0xFFFFD800  }
0x10c: {  	[spmem:s2] =	stream.indirect.scatter.add.f32 [tilespmem:s29], [sflag:$0x8], $0x80, s10, s21, $0xb8;
	v63 =	vld [tilespmem:$0x0]  }
0x10d: {  	_ =	swait.ge [sflag:s5], $0x2800  }
0x10e: {  	[sflag:s5] =	ssyncset.done $0x0  }
0x10f: {  	s14 =	simm.s32 $0x1400;
	[sflag:s5] =	ssyncadd.s32 $0xFFFFD800  }
0x110: {  	[tilespmem:s22], [sflag:$0x1] =	stream.indirect.gather [hbm4b:s4+s21], $0x80, s14, s21, $0xb8;
	v63 =	vld [tilespmem:$0x0]  }
0x111: {  	_ =	swait.ge [sflag:s11], $0x2800  }
0x112: {  	[sflag:s11] =	ssyncset.done $0x0  }
0x113: {  	s10 =	simm.s32 $0x1480;
	[sflag:s11] =	ssyncadd.s32 $0xFFFFD800  }
0x114: {  	[tilespmem:s24], [sflag:$0x2] =	stream.indirect.gather [hbm4b:s4+s21], $0x80, s10, s21, $0xb8;
	v63 =	vld [tilespmem:$0x0]  }
0x115: {  	_ =	swait.ge [sflag:s15], $0x2800  }
0x116: {  	[sflag:s15] =	ssyncset.done $0x0  }
0x117: {  	s14 =	simm.s32 $0x1500;
	[sflag:s15] =	ssyncadd.s32 $0xFFFFD800  }
0x118: {  	[tilespmem:s26], [sflag:$0x3] =	stream.indirect.gather [hbm4b:s4+s21], $0x80, s14, s21, $0xb8;
	v63 =	vld [tilespmem:$0x0]  }
0x119: {  	_ =	swait.ge [sflag:s17], $0x2800  }
0x11a: {  	[sflag:s17] =	ssyncset.done $0x0  }
0x11b: {  	s10 =	simm.s32 $0x1580;
	[sflag:s17] =	ssyncadd.s32 $0xFFFFD800  }
0x11c: {  	[tilespmem:s29], [sflag:$0x4] =	stream.indirect.gather [hbm4b:s4+s21], $0x80, s10, s21, $0xb8;
	v63 =	vld [tilespmem:$0x0]  }
0x11d: {  	_ =	swait.ge [sflag:s30], $0x2800  }
0x11e: {  	[sflag:s30] =	ssyncset.done $0x0  }
0x11f: {  	s14 =	simm.s32 $0x1C00;
	[sflag:s30] =	ssyncadd.s32 $0xFFFFD800  }
0x120: {  	[spmem:s2] =	stream.indirect.scatter.add.f32 [tilespmem:s22], [sflag:$0x5], $0x80, s14, s21, $0xb8;
	v63 =	vld [tilespmem:$0x0]  }
0x121: {  	_ =	swait.ge [sflag:s31], $0x2800  }
0x122: {  	[sflag:s31] =	ssyncset.done $0x0  }
0x123: {  	s10 =	simm.s32 $0x1C80;
	[sflag:s31] =	ssyncadd.s32 $0xFFFFD800  }
0x124: {  	[spmem:s2] =	stream.indirect.scatter.add.f32 [tilespmem:s24], [sflag:$0x6], $0x80, s10, s21, $0xb8;
	v63 =	vld [tilespmem:$0x0]  }
0x125: {  	_ =	swait.ge [sflag:s1], $0x2800  }
0x126: {  	[sflag:s1] =	ssyncset.done $0x0  }
0x127: {  	s14 =	simm.s32 $0x1D00;
	[sflag:s1] =	ssyncadd.s32 $0xFFFFD800  }
0x128: {  	[spmem:s2] =	stream.indirect.scatter.add.f32 [tilespmem:s26], [sflag:$0x7], $0x80, s14, s21, $0xb8;
	v63 =	vld [tilespmem:$0x0]  }
0x129: {  	_ =	swait.ge [sflag:s7], $0x2800  }
0x12a: {  	[sflag:s7] =	ssyncset.done $0x0  }
0x12b: {  	s10 =	simm.s32 $0x1D80;
	[sflag:s7] =	ssyncadd.s32 $0xFFFFD800  }
0x12c: {  	[spmem:s2] =	stream.indirect.scatter.add.f32 [tilespmem:s29], [sflag:$0x8], $0x80, s10, s21, $0xb8;
	v63 =	vld [tilespmem:$0x0]  }
0x12d: {  	_ =	swait.ge [sflag:s5], $0x2800  }
0x12e: {  	[sflag:s5] =	ssyncset.done $0x0  }
0x12f: {  	s14 =	simm.s32 $0x1600;
	[sflag:s5] =	ssyncadd.s32 $0xFFFFD800  }
0x130: {  	[tilespmem:s22], [sflag:$0x1] =	stream.indirect.gather [hbm4b:s4+s21], $0x80, s14, s21, $0xb8;
	v63 =	vld [tilespmem:$0x0]  }
0x131: {  	_ =	swait.ge [sflag:s11], $0x2800  }
0x132: {  	[sflag:s11] =	ssyncset.done $0x0  }
0x133: {  	s10 =	simm.s32 $0x1680;
	[sflag:s11] =	ssyncadd.s32 $0xFFFFD800  }
0x134: {  	[tilespmem:s24], [sflag:$0x2] =	stream.indirect.gather [hbm4b:s4+s21], $0x80, s10, s21, $0xb8;
	v63 =	vld [tilespmem:$0x0]  }
0x135: {  	_ =	swait.ge [sflag:s15], $0x2800  }
0x136: {  	[sflag:s15] =	ssyncset.done $0x0  }
0x137: {  	s14 =	simm.s32 $0x1700;
	[sflag:s15] =	ssyncadd.s32 $0xFFFFD800  }
0x138: {  	[tilespmem:s26], [sflag:$0x3] =	stream.indirect.gather [hbm4b:s4+s21], $0x80, s14, s21, $0xb8;
	v63 =	vld [tilespmem:$0x0]  }
0x139: {  	_ =	swait.ge [sflag:s17], $0x2800  }
0x13a: {  	[sflag:s17] =	ssyncset.done $0x0  }
0x13b: {  	[sflag:s17] =	ssyncadd.s32 $0xFFFFD800  }
0x13c: {  	[tilespmem:s29], [sflag:$0x4] =	stream.indirect.gather [hbm4b:s4+s21], $0x80, s16, s21, $0xb8;
	v63 =	vld [tilespmem:$0x0]  }
0x13d: {  	_ =	swait.ge [sflag:s30], $0x2800  }
0x13e: {  	[sflag:s30] =	ssyncset.done $0x0  }
0x13f: {  	[sflag:s30] =	ssyncadd.s32 $0xFFFFD800  }
0x140: {  	[spmem:s2] =	stream.indirect.scatter.add.f32 [tilespmem:s22], [sflag:$0x5], $0x80, s23, s21, $0xb8;
	v63 =	vld [tilespmem:$0x0]  }
0x141: {  	_ =	swait.ge [sflag:s31], $0x2800  }
0x142: {  	[sflag:s31] =	ssyncset.done $0x0  }
0x143: {  	[sflag:s31] =	ssyncadd.s32 $0xFFFFD800  }
0x144: {  	[spmem:s2] =	stream.indirect.scatter.add.f32 [tilespmem:s24], [sflag:$0x6], $0x80, s28, s21, $0xb8;
	v63 =	vld [tilespmem:$0x0]  }
0x145: {  	_ =	swait.ge [sflag:s1], $0x2800  }
0x146: {  	[sflag:s1] =	ssyncset.done $0x0  }
0x147: {  	[sflag:s1] =	ssyncadd.s32 $0xFFFFD800  }
0x148: {  	[spmem:s2] =	stream.indirect.scatter.add.f32 [tilespmem:s26], [sflag:$0x7], $0x80, s18, s21, $0xb8;
	v63 =	vld [tilespmem:$0x0]  }
0x149: {  	_ =	swait.ge [sflag:s7], $0x2800  }
0x14a: {  	[sflag:s7] =	ssyncset.done $0x0  }
0x14b: {  	[sflag:s7] =	ssyncadd.s32 $0xFFFFD800  }
0x14c: {  	[spmem:s2] =	stream.indirect.scatter.add.f32 [tilespmem:s29], [sflag:$0x8], $0x80, s0, s21, $0xb8;
	v63 =	vld [tilespmem:$0x0]  }
0x14d: {  	_ =	swait.ge [sflag:s5], $0x2800  }
0x14e: {  	[sflag:s5] =	ssyncset.done $0x0  }
0x14f: {  	[sflag:s5] =	ssyncadd.s32 $0xFFFFD800  }
0x150: {  	_ =	swait.ge [sflag:s11], $0x2800  }
0x151: {  	[sflag:s11] =	ssyncset.done $0x0  }
0x152: {  	[sflag:s11] =	ssyncadd.s32 $0xFFFFD800  }
0x153: {  	_ =	swait.ge [sflag:s15], $0x2800  }
.Ltmp2:
0x154: {  	[sflag:s15] =	ssyncset.done $0x0;
	(pc) =	sbr.rel @p1 .LBB2_4-.Ltmp2, $4  }
0x155: {  	[sflag:s15] =	ssyncadd.s32 $0xFFFFD800  }
0x156: {  	_ =	swait.ge [sflag:s17], $0x2800  }
0x157: {  	[sflag:s17] =	ssyncset.done $0x0  }
0x158: {  	[sflag:s17] =	ssyncadd.s32 $0xFFFFD800  }
0x159: {  	_ =	swait.ge [sflag:s25], $0x800  }
.Ltmp3:
0x15a: {  	[sflag:s25] =	ssyncset.done $0x0;
	(pc) =	sbr.rel .LBB2_2-.Ltmp3, $4  }
0x15b: {  	[sflag:s25] =	ssyncadd.s32 $0xFFFFF800  }
0x15c: {  	_ =	swait.ge [sflag:s25], $0x800  }
0x15d: {  	[sflag:s25] =	ssyncset.done $0x0  }
0x15e: {  	s6 =	sadd.s32 $0x200, s6;
	[sflag:s25] =	ssyncadd.s32 $0xFFFFF800  }
.LBB2_5:
0x15f: {  	_ =	sfence.sel $0x180000  }
0x160: {  	[bflag:$0x0] =	sbarrier.arrive $0xFFFF  }
0x161: {  	_ =	strace $0x9000004A  }
0x162: {  	s0 =	stileid.u32;
	[bflag:$0x2] =	sbarrier.arrive $0xFFFF  }
0x163: {  	p0 =	sne.s32 s0, $0x0;
	s0 =	rddreg [dreg:$0x4]  }
0x164: {  	s0 =	sadd.s32 @!p0 $0x100000, s0  }
0x165: {  	[sflag:s0] =	ssyncadd.tile.s32 @!p0 $0x1;
	_ =	shalt  }
.Lfunc_end2:
_tile_overlayer_lowered:
.L_overlay_start_2:
0x166: {  	(tag) =	ssettag $0x2  }
0x167: {  	s0 =	rddreg [dreg:$0x0];
	s2 =	stileid.u32  }
0x168: {  	s1 =	rddreg [dreg:$0x1];
	p0 =	sne.s32 s2, $0x0  }
0x169: {  	s3 =	rddreg [dreg:$0x2];
	[bflag:$0x3] =	sbarrier.arrive $0xFFFF;
	s2 =	simm.s32 @!p0 $0x1C0A  }
0x16a: {  	[timem:s3], [sflag:s2] =	dma.local @!p0 [hbm:s0], s1  }
0x16b: {  	s0 =	simm.s32 @!p0 $0xA  }
0x16c: {  	_ =	swait.ge @!p0 [sflag:s0], s1  }
0x16d: {  	s1 =	ssub.s32 @!p0 $0x0, s1;
	[sflag:s0] =	ssyncset.done @!p0 $0x0  }
0x16e: {  	[sflag:s0] =	ssyncadd.s32 @!p0 s1  }
0x16f: {  	[bflag:$0x3] =	sbarrier.arrive $0xFFFF  }
0x170: {  	_ =	shalt  }

</sc_bundles>
